<compile_context>
chip_gen: v7x
topology: tpu7x:2x2x1
jax: 0.10.2.dev20260603
libtpu: 0.0.44.dev20260713+nightly
codegen_flags: <defaults>
</compile_context>

<pallas_src>
import functools

import jax
import jax.numpy as jnp
from jax import lax
from jax.experimental import pallas as pl
from jax.experimental.pallas import tpu as pltpu
from jax.experimental.pallas import tpu_sc as plsc

B = 16
H = 128
ACT_DIM = 4096
T = 32768
N_NODES = 65536

NC = 2
NS = 16
NW = NC * NS
LANES = 16

NSLICE = 2
T2 = T // NSLICE


GATHER_BATCH = 128


@functools.cache
def _make_sc_gather(nrows, row0):
    rows_per_w = nrows // NW
    n_batch = rows_per_w // GATHER_BATCH
    mesh = plsc.VectorSubcoreMesh(
        core_axis_name="c", subcore_axis_name="s", num_cores=NC, num_subcores=NS)

    def body(table_hbm, idx_hbm, out_hbm, idx_v, rows_a, rows_b, sem_a, sem_b):
        wid = lax.axis_index("s") * NC + lax.axis_index("c")
        pltpu.sync_copy(idx_hbm.at[pl.ds(row0 + wid * n_batch, n_batch)], idx_v)
        bufs = (rows_a, rows_b)
        sems = (sem_a, sem_b)
        cps = [None, None]
        cps[0] = pltpu.async_copy(table_hbm.at[idx_v.at[0]], bufs[0], sems[0])
        for j in range(n_batch):
            if j + 1 < n_batch:
                cps[(j + 1) % 2] = pltpu.async_copy(
                    table_hbm.at[idx_v.at[j + 1]], bufs[(j + 1) % 2],
                    sems[(j + 1) % 2])
            cps[j % 2].wait()
            pltpu.sync_copy(
                bufs[j % 2],
                out_hbm.at[pl.ds(wid * rows_per_w + j * GATHER_BATCH,
                                 GATHER_BATCH)])

    return functools.partial(
        pl.kernel,
        out_type=jax.ShapeDtypeStruct((nrows, H), jnp.float32),
        mesh=mesh,
        compiler_params=pltpu.CompilerParams(needs_layout_passes=False),
        scratch_types=[
            pltpu.VMEM((n_batch, GATHER_BATCH), jnp.int32),
            pltpu.VMEM((GATHER_BATCH, H), jnp.float32),
            pltpu.VMEM((GATHER_BATCH, H), jnp.float32),
            pltpu.SemaphoreType.DMA,
            pltpu.SemaphoreType.DMA,
        ],
    )(body)



TB = 4096
NB2 = T2 // TB


def _tc_mlp_body(ev_ref, seg_ref, pooled_ref, w1_ref, b1_ref, w2a_ref, w2b_ref,
                 b2_ref, w3_ref, b3_ref, out_ref):
    ctx = jax.nn.relu(
        jnp.dot(pooled_ref[...], w1_ref[...], preferred_element_type=jnp.float32)
        + b1_ref[...])
    ctx2 = jnp.dot(ctx, w2b_ref[...], preferred_element_type=jnp.float32) + b2_ref[...]
    seg = seg_ref[...].reshape(1, TB)
    onehot_t = (lax.broadcasted_iota(jnp.int32, (B, TB), 0) == seg
                ).astype(jnp.float32)
    ctxg = lax.dot_general(onehot_t, ctx2, (((0,), (0,)), ((), ())),
                           preferred_element_type=jnp.float32)
    u = jnp.dot(ev_ref[...], w2a_ref[...], preferred_element_type=jnp.float32)
    h = jax.nn.relu(u + ctxg)
    vt = lax.dot_general(w3_ref[...], h, (((0,), (1,)), ((), ())),
                         preferred_element_type=jnp.float32)
    out_ref[...] = jnp.tanh(vt + b3_ref[...])


def _tc_mlp(ev_emb, seg3, pooled2, W1, b1, W2a, W2b, b2, W3, b3):
    return pl.pallas_call(
        _tc_mlp_body,
        grid=(NB2,),
        in_specs=[
            pl.BlockSpec((TB, H), lambda i: (i, 0)),
            pl.BlockSpec((1, 1, TB), lambda i: (i, 0, 0)),
            pl.BlockSpec((B, H), lambda i: (0, 0)),
            pl.BlockSpec((H, H), lambda i: (0, 0)),
            pl.BlockSpec((1, H), lambda i: (0, 0)),
            pl.BlockSpec((H, H), lambda i: (0, 0)),
            pl.BlockSpec((H, H), lambda i: (0, 0)),
            pl.BlockSpec((1, H), lambda i: (0, 0)),
            pl.BlockSpec((H, 1), lambda i: (0, 0)),
            pl.BlockSpec((1, 1), lambda i: (0, 0)),
        ],
        out_specs=pl.BlockSpec((1, TB), lambda i: (0, i)),
        out_shape=jax.ShapeDtypeStruct((1, T2), jnp.float32),
    )(ev_emb, seg3, pooled2, W1, b1, W2a, W2b, b2, W3, b3)



NBF = T // TB


def _tc_offs_body(seg_ref, offs_ref):
    acc = jnp.zeros((B, 1), jnp.float32)
    for r in range(NBF):
        seg = seg_ref[r].reshape(1, TB)
        onehot_t = (lax.broadcasted_iota(jnp.int32, (B, TB), 0) == seg
                    ).astype(jnp.float32)
        acc = acc + jnp.sum(onehot_t, axis=1, keepdims=True)
    tri = (lax.broadcasted_iota(jnp.int32, (B, B), 0)
           > lax.broadcasted_iota(jnp.int32, (B, B), 1)).astype(jnp.float32)
    starts = jnp.dot(tri, acc, preferred_element_type=jnp.float32,
                     precision=lax.Precision.HIGHEST)
    ends = starts + acc
    z = jnp.zeros((NW - B, 1), jnp.float32)
    starts_p = jnp.concatenate([starts, z], axis=0)
    ends_p = jnp.concatenate([ends, z], axis=0)
    col = lax.broadcasted_iota(jnp.int32, (NW, LANES), 1)
    out2 = jnp.where(col == 0, starts_p, jnp.where(col == 1, ends_p, 0.0))
    offs_ref[...] = out2.astype(jnp.int32)


def _tc_offs(seg3):
    return pl.pallas_call(
        _tc_offs_body,
        grid=(1,),
        in_specs=[pl.BlockSpec((NBF, 1, TB), lambda i: (0, 0, 0))],
        out_specs=pl.BlockSpec((NW, LANES), lambda i: (0, 0)),
        out_shape=jax.ShapeDtypeStruct((NW, LANES), jnp.int32),
    )(seg3)



CH = 2048
PAD = 2 * CH


@functools.cache
def _make_sc_scatter():
    mesh = plsc.VectorSubcoreMesh(
        core_axis_name="c", subcore_axis_name="s", num_cores=NC, num_subcores=NS)
    return functools.partial(
        pl.kernel,
        out_type=jax.ShapeDtypeStruct((B, ACT_DIM), jnp.float32),
        mesh=mesh,
        compiler_params=pltpu.CompilerParams(needs_layout_passes=False),
        scratch_types=[
            pltpu.VMEM((LANES,), jnp.int32),
            pltpu.VMEM((CH + LANES,), jnp.int32),
            pltpu.VMEM((CH,), jnp.float32),
            pltpu.VMEM((ACT_DIM,), jnp.float32),
        ],
    )(_sc_scatter_body)


def _sc_scatter_body(vals_hbm, map_hbm, offs_hbm, out_hbm, offs_v, idx_v, vals_v, row_v):
    wid = lax.axis_index("s") * NC + lax.axis_index("c")

    @pl.when(wid < B)
    def _work():
        s = wid
        pltpu.sync_copy(offs_hbm.at[s], offs_v)
        o = offs_v[pl.ds(0, LANES)]
        start = o[0]
        end = o[1]
        lane = lax.broadcasted_iota(jnp.int32, (LANES,), 0)
        abase = (start // 8) * 8
        nch = (end - abase + CH - 1) // CH

        zero16 = jnp.zeros((LANES,), jnp.float32)

        def _zero(i, carry):
            row_v[pl.ds(i * LANES, LANES)] = zero16
            return carry

        lax.fori_loop(0, ACT_DIM // LANES, _zero, 0)

        def _chunk(c, carry):
            cb = abase + c * CH
            pltpu.sync_copy(map_hbm.at[pl.ds(cb, CH + LANES)], idx_v)
            pltpu.sync_copy(vals_hbm.at[pl.ds(cb, CH)], vals_v)

            def _group(g, carry2):
                base = g * LANES
                pos = cb + base + lane
                idx16 = idx_v[pl.ds(base, LANES)]
                val16 = vals_v[pl.ds(base, LANES)]
                valid = (pos >= start) & (pos < end)
                _, lastmask = plsc.scan_count(idx16, mask=valid)
                plsc.store_scatter(row_v, [idx16], val16, mask=valid & lastmask)
                return carry2

            lax.fori_loop(0, CH // LANES, _group, 0)
            return carry

        lax.fori_loop(0, nch, _chunk, 0)
        pltpu.sync_copy(row_v, out_hbm.at[s])




def kernel(pooled, node_embeddings, ev_indexes, segment_ids, action_mapper,
           W1, b1, W2, b2, W3, b3):
    pooled2 = pooled[:, 0, :]
    W2a = W2[:H]
    W2b = W2[H:]
    b1r = b1.reshape(1, H)
    b2r = b2.reshape(1, H)
    b3r = b3.reshape(1, 1)
    seg3 = segment_ids.reshape(T // TB, 1, TB)

    offs2 = _tc_offs(seg3)

    idx2d = ev_indexes.reshape(T // GATHER_BATCH, GATHER_BATCH)
    vparts = []
    for si in range(NSLICE):
        gather = _make_sc_gather(T2, si * (T2 // GATHER_BATCH))
        ev_emb = gather(node_embeddings, idx2d)
        seg3_s = lax.slice_in_dim(seg3, si * NB2, (si + 1) * NB2, axis=0)
        vparts.append(_tc_mlp(ev_emb, seg3_s, pooled2, W1, b1r, W2a, W2b, b2r,
                              W3, b3r))

    vals_t = jnp.concatenate(vparts, axis=1)
    vals_pad = jnp.pad(vals_t.reshape(T), (0, PAD))
    map_pad = jnp.pad(action_mapper, (0, PAD))

    return _make_sc_scatter()(vals_pad, map_pad, offs2)

# --- scband reference (transcript-rebuilt; emitter-appended) ---
"""Pipeline reference for scband-nodewise-graph-actor-34918084116568 (READ-ONLY COPY).

The authoritative reference and input builder live on the scoring server;
editing this copy changes nothing except your own understanding.
"""

import jax, jax.numpy as jnp
import numpy as np

B = 16
H = 128
ACT_DIM = 4096
T = 32768
N_NODES = 65536


def setup_inputs(seed: int = 0) -> dict:
    key = jax.random.key(seed)
    ks = jax.random.split(key, 11)
    pooled = jax.random.normal(ks[0], (B, 1, H), dtype=jnp.float32)
    node_embeddings = jax.random.normal(ks[1], (N_NODES, H), dtype=jnp.float32)
    ev_indexes = jax.random.randint(ks[2], (T,), 0, N_NODES, dtype=jnp.int32)
    segment_ids = jnp.sort(jax.random.randint(ks[3], (T,), 0, B, dtype=jnp.int32))
    action_mapper = jax.random.randint(ks[4], (T,), 0, ACT_DIM, dtype=jnp.int32)
    W1 = jax.random.normal(ks[5], (H, H), dtype=jnp.float32) * (1.0 / np.sqrt(H))
    b1 = jnp.zeros((H,), dtype=jnp.float32)
    W2 = jax.random.normal(ks[6], (2 * H, H), dtype=jnp.float32) * (1.0 / np.sqrt(2 * H))
    b2 = jnp.zeros((H,), dtype=jnp.float32)
    W3 = jax.random.normal(ks[7], (H, 1), dtype=jnp.float32) * (1.0 / np.sqrt(H))
    b3 = jnp.zeros((1,), dtype=jnp.float32)
    return {
        "pooled": pooled,
        "node_embeddings": node_embeddings,
        "ev_indexes": ev_indexes,
        "segment_ids": segment_ids,
        "action_mapper": action_mapper,
        "W1": W1, "b1": b1, "W2": W2, "b2": b2, "W3": W3, "b3": b3,
    }


def reference(pooled, node_embeddings, ev_indexes, segment_ids, action_mapper,
              W1, b1, W2, b2, W3, b3):
    # context_proj: Linear(H,H) + ReLU applied to pooled[:, 0, :]
    context = jax.nn.relu(pooled[:, 0, :] @ W1 + b1)            # [B, H]
    # gather EV node embeddings (ragged per-sample loop flattened)
    ev_emb = jnp.take(node_embeddings, ev_indexes, axis=0)      # [T, H]
    # repeated per-sample context, replacing the python loop with segment gather
    rep_ctx = jnp.take(context, segment_ids, axis=0)            # [T, H]
    x = jnp.concatenate([ev_emb, rep_ctx], axis=-1)             # [T, 2H]
    h = jax.nn.relu(x @ W2 + b2)                                # [T, H]
    node_action_values = (h @ W3 + b3)[:, 0]                    # [T]
    # scatter (overwrite) per-sample values into act_dim slots
    action_preds = jnp.zeros((pooled.shape[0], ACT_DIM), dtype=jnp.float32)
    action_preds = action_preds.at[segment_ids, action_mapper].set(node_action_values)
    # grad_anchor term: + 0.0 * context.sum()
    action_preds = action_preds + 0.0 * context.sum()
    return jnp.tanh(action_preds)

if __name__ == "__main__":
    import jax
    _d = setup_inputs()
    print(jax.jit(kernel)(*tuple(_d.values())))

</pallas_src>

<mosaic_0001>
#map = affine_map<(d0, d1) -> (0, 0)>
module attributes {stable_mosaic.version = 14 : i64} {
  func.func @body(%arg0: i32, %arg1: i32, %arg2: memref<65536x128xf32, #tpu.memory_space<hbm>>, %arg3: memref<256x128xi32, #tpu.memory_space<hbm>>, %arg4: memref<16384x128xf32, #tpu.memory_space<hbm>>, %arg5: memref<4x128xi32, #tpu.memory_space<vmem>>, %arg6: memref<128x128xf32, #tpu.memory_space<vmem>>, %arg7: memref<128x128xf32, #tpu.memory_space<vmem>>, %arg8: memref<!tpu.dma_semaphore, #tpu.memory_space<semaphore_mem>>, %arg9: memref<!tpu.dma_semaphore, #tpu.memory_space<semaphore_mem>>) attributes {dimension_semantics = [#tpu.dimension_semantics<core_parallel>, #tpu.dimension_semantics<subcore_parallel>], iteration_bounds = array<i64: 2, 16>, scalar_prefetch = 0 : i64, scratch_operands = 5 : i64, tpu.core_type = #tpu.core_type<sc_vector_subcore>, window_params = [{transform_indices = #map}, {transform_indices = #map}, {transform_indices = #map}]} {
    %mul3A = arith.constant 2 : i32
    %mul3A_0 = arith.muli %arg1, %mul3A : i32
    %add3A = arith.addi %mul3A_0, %arg0 : i32
    %mul3A_1 = arith.constant 4 : i32
    %mul3A_2 = arith.muli %add3A, %mul3A_1 : i32
    %add3A_3 = arith.constant 128 : i32
    %add3A_4 = arith.addi %add3A_3, %mul3A_2 : i32
    "tpu.region"() ({
      %run_scoped3A = tpu.sem_alloc : memref<!tpu.dma_semaphore, #tpu.memory_space<semaphore_mem>>
      %dma_start3A_75 = arith.constant 0 : i32
      %dma_start3A_76 = tpu.memref_slice %arg3[%add3A_4, %dma_start3A_75] : memref<256x128xi32, #tpu.memory_space<hbm>> -> memref<4x128xi32, #tpu.memory_space<hbm>>
      %dma_start3A_77 = arith.constant 0 : i32
      %dma_start3A_78 = tpu.memref_slice %arg3[%add3A_4, %dma_start3A_77] : memref<256x128xi32, #tpu.memory_space<hbm>> -> memref<4x128xi32, #tpu.memory_space<hbm>>
      tpu.enqueue_dma source(%dma_start3A_78 : memref<4x128xi32, #tpu.memory_space<hbm>>) target(%arg5 : memref<4x128xi32, #tpu.memory_space<vmem>>) target_semaphore(%run_scoped3A : memref<!tpu.dma_semaphore, #tpu.memory_space<semaphore_mem>>)
      %dma_wait3A_79 = arith.constant 0 : i32
      %dma_wait3A_80 = tpu.memref_slice %arg3[%add3A_4, %dma_wait3A_79] : memref<256x128xi32, #tpu.memory_space<hbm>> -> memref<4x128xi32, #tpu.memory_space<hbm>>
      %dma_wait3A_81 = arith.constant 0 : i32
      %dma_wait3A_82 = tpu.memref_slice %arg3[%add3A_4, %dma_wait3A_81] : memref<256x128xi32, #tpu.memory_space<hbm>> -> memref<4x128xi32, #tpu.memory_space<hbm>>
      tpu.wait_dma2 semaphore(%run_scoped3A : memref<!tpu.dma_semaphore, #tpu.memory_space<semaphore_mem>>) src(%dma_wait3A_82 : memref<4x128xi32, #tpu.memory_space<hbm>>) dst(%arg5 : memref<4x128xi32, #tpu.memory_space<vmem>>)
      tpu.yield
    }) : () -> ()
    %dma_start3A = arith.constant 0 : i32
    %dma_start3A_5 = arith.constant 0 : i32
    %dma_start3A_6 = tpu.memref_slice %arg5[%dma_start3A, %dma_start3A_5] : memref<4x128xi32, #tpu.memory_space<vmem>> -> memref<1x128xi32, #tpu.memory_space<vmem>>
    %dma_start3A_7 = tpu.memref_squeeze %dma_start3A_6 : memref<1x128xi32, #tpu.memory_space<vmem>> -> memref<128xi32, #tpu.memory_space<vmem>>
    %dma_start3A_8 = arith.constant 0 : i32
    %dma_start3A_9 = arith.constant 0 : i32
    %dma_start3A_10 = tpu.memref_slice %arg2[%dma_start3A_8, %dma_start3A_9] : memref<65536x128xf32, #tpu.memory_space<hbm>> -> memref<65536x128xf32, #tpu.memory_space<hbm>>
    tpu.enqueue_indirect_dma source(%dma_start3A_10 : memref<65536x128xf32, #tpu.memory_space<hbm>>) target(%arg6 : memref<128x128xf32, #tpu.memory_space<vmem>>) offsets(%dma_start3A_7 : memref<128xi32, #tpu.memory_space<vmem>>) semaphore(%arg8 : memref<!tpu.dma_semaphore, #tpu.memory_space<semaphore_mem>>)
    %dma_start3A_11 = arith.constant 1 : i32
    %dma_start3A_12 = arith.constant 0 : i32
    %dma_start3A_13 = tpu.memref_slice %arg5[%dma_start3A_11, %dma_start3A_12] : memref<4x128xi32, #tpu.memory_space<vmem>> -> memref<1x128xi32, #tpu.memory_space<vmem>>
    %dma_start3A_14 = tpu.memref_squeeze %dma_start3A_13 : memref<1x128xi32, #tpu.memory_space<vmem>> -> memref<128xi32, #tpu.memory_space<vmem>>
    %dma_start3A_15 = arith.constant 0 : i32
    %dma_start3A_16 = arith.constant 0 : i32
    %dma_start3A_17 = tpu.memref_slice %arg2[%dma_start3A_15, %dma_start3A_16] : memref<65536x128xf32, #tpu.memory_space<hbm>> -> memref<65536x128xf32, #tpu.memory_space<hbm>>
    tpu.enqueue_indirect_dma source(%dma_start3A_17 : memref<65536x128xf32, #tpu.memory_space<hbm>>) target(%arg7 : memref<128x128xf32, #tpu.memory_space<vmem>>) offsets(%dma_start3A_14 : memref<128xi32, #tpu.memory_space<vmem>>) semaphore(%arg9 : memref<!tpu.dma_semaphore, #tpu.memory_space<semaphore_mem>>)
    %dma_wait3A = arith.constant 0 : i32
    %dma_wait3A_18 = arith.constant 0 : i32
    %dma_wait3A_19 = tpu.memref_slice %arg5[%dma_wait3A, %dma_wait3A_18] : memref<4x128xi32, #tpu.memory_space<vmem>> -> memref<1x128xi32, #tpu.memory_space<vmem>>
    %dma_wait3A_20 = tpu.memref_squeeze %dma_wait3A_19 : memref<1x128xi32, #tpu.memory_space<vmem>> -> memref<128xi32, #tpu.memory_space<vmem>>
    %dma_wait3A_21 = arith.constant 0 : i32
    %dma_wait3A_22 = arith.constant 0 : i32
    %dma_wait3A_23 = tpu.memref_slice %arg2[%dma_wait3A_21, %dma_wait3A_22] : memref<65536x128xf32, #tpu.memory_space<hbm>> -> memref<65536x128xf32, #tpu.memory_space<hbm>>
    tpu.wait_indirect_dma semaphore(%arg8 : memref<!tpu.dma_semaphore, #tpu.memory_space<semaphore_mem>>) src(%dma_wait3A_23 : memref<65536x128xf32, #tpu.memory_space<hbm>>) dst(%arg6 : memref<128x128xf32, #tpu.memory_space<vmem>>)
    %mul3A_24 = arith.constant 512 : i32
    %mul3A_25 = arith.muli %add3A, %mul3A_24 : i32
    %add3A_26 = arith.constant 0 : i32
    %add3A_27 = arith.addi %mul3A_25, %add3A_26 : i32
    "tpu.region"() ({
      %run_scoped3A = tpu.sem_alloc : memref<!tpu.dma_semaphore, #tpu.memory_space<semaphore_mem>>
      %dma_start3A_75 = arith.constant 0 : i32
      %dma_start3A_76 = tpu.memref_slice %arg4[%add3A_27, %dma_start3A_75] : memref<16384x128xf32, #tpu.memory_space<hbm>> -> memref<128x128xf32, #tpu.memory_space<hbm>>
      %dma_start3A_77 = arith.constant 0 : i32
      %dma_start3A_78 = tpu.memref_slice %arg4[%add3A_27, %dma_start3A_77] : memref<16384x128xf32, #tpu.memory_space<hbm>> -> memref<128x128xf32, #tpu.memory_space<hbm>>
      tpu.enqueue_dma source(%arg6 : memref<128x128xf32, #tpu.memory_space<vmem>>) target(%dma_start3A_78 : memref<128x128xf32, #tpu.memory_space<hbm>>) target_semaphore(%run_scoped3A : memref<!tpu.dma_semaphore, #tpu.memory_space<semaphore_mem>>)
      %dma_wait3A_79 = arith.constant 0 : i32
      %dma_wait3A_80 = tpu.memref_slice %arg4[%add3A_27, %dma_wait3A_79] : memref<16384x128xf32, #tpu.memory_space<hbm>> -> memref<128x128xf32, #tpu.memory_space<hbm>>
      %dma_wait3A_81 = arith.constant 0 : i32
      %dma_wait3A_82 = tpu.memref_slice %arg4[%add3A_27, %dma_wait3A_81] : memref<16384x128xf32, #tpu.memory_space<hbm>> -> memref<128x128xf32, #tpu.memory_space<hbm>>
      tpu.wait_dma2 semaphore(%run_scoped3A : memref<!tpu.dma_semaphore, #tpu.memory_space<semaphore_mem>>) src(%arg6 : memref<128x128xf32, #tpu.memory_space<vmem>>) dst(%dma_wait3A_82 : memref<128x128xf32, #tpu.memory_space<hbm>>)
      tpu.yield
    }) : () -> ()
    %dma_start3A_28 = arith.constant 2 : i32
    %dma_start3A_29 = arith.constant 0 : i32
    %dma_start3A_30 = tpu.memref_slice %arg5[%dma_start3A_28, %dma_start3A_29] : memref<4x128xi32, #tpu.memory_space<vmem>> -> memref<1x128xi32, #tpu.memory_space<vmem>>
    %dma_start3A_31 = tpu.memref_squeeze %dma_start3A_30 : memref<1x128xi32, #tpu.memory_space<vmem>> -> memref<128xi32, #tpu.memory_space<vmem>>
    %dma_start3A_32 = arith.constant 0 : i32
    %dma_start3A_33 = arith.constant 0 : i32
    %dma_start3A_34 = tpu.memref_slice %arg2[%dma_start3A_32, %dma_start3A_33] : memref<65536x128xf32, #tpu.memory_space<hbm>> -> memref<65536x128xf32, #tpu.memory_space<hbm>>
    tpu.enqueue_indirect_dma source(%dma_start3A_34 : memref<65536x128xf32, #tpu.memory_space<hbm>>) target(%arg6 : memref<128x128xf32, #tpu.memory_space<vmem>>) offsets(%dma_start3A_31 : memref<128xi32, #tpu.memory_space<vmem>>) semaphore(%arg8 : memref<!tpu.dma_semaphore, #tpu.memory_space<semaphore_mem>>)
    %dma_wait3A_35 = arith.constant 1 : i32
    %dma_wait3A_36 = arith.constant 0 : i32
    %dma_wait3A_37 = tpu.memref_slice %arg5[%dma_wait3A_35, %dma_wait3A_36] : memref<4x128xi32, #tpu.memory_space<vmem>> -> memref<1x128xi32, #tpu.memory_space<vmem>>
    %dma_wait3A_38 = tpu.memref_squeeze %dma_wait3A_37 : memref<1x128xi32, #tpu.memory_space<vmem>> -> memref<128xi32, #tpu.memory_space<vmem>>
    %dma_wait3A_39 = arith.constant 0 : i32
    %dma_wait3A_40 = arith.constant 0 : i32
    %dma_wait3A_41 = tpu.memref_slice %arg2[%dma_wait3A_39, %dma_wait3A_40] : memref<65536x128xf32, #tpu.memory_space<hbm>> -> memref<65536x128xf32, #tpu.memory_space<hbm>>
    tpu.wait_indirect_dma semaphore(%arg9 : memref<!tpu.dma_semaphore, #tpu.memory_space<semaphore_mem>>) src(%dma_wait3A_41 : memref<65536x128xf32, #tpu.memory_space<hbm>>) dst(%arg7 : memref<128x128xf32, #tpu.memory_space<vmem>>)
    %mul3A_42 = arith.constant 512 : i32
    %mul3A_43 = arith.muli %add3A, %mul3A_42 : i32
    %add3A_44 = arith.constant 128 : i32
    %add3A_45 = arith.addi %mul3A_43, %add3A_44 : i32
    "tpu.region"() ({
      %run_scoped3A = tpu.sem_alloc : memref<!tpu.dma_semaphore, #tpu.memory_space<semaphore_mem>>
      %dma_start3A_75 = arith.constant 0 : i32
      %dma_start3A_76 = tpu.memref_slice %arg4[%add3A_45, %dma_start3A_75] : memref<16384x128xf32, #tpu.memory_space<hbm>> -> memref<128x128xf32, #tpu.memory_space<hbm>>
      %dma_start3A_77 = arith.constant 0 : i32
      %dma_start3A_78 = tpu.memref_slice %arg4[%add3A_45, %dma_start3A_77] : memref<16384x128xf32, #tpu.memory_space<hbm>> -> memref<128x128xf32, #tpu.memory_space<hbm>>
      tpu.enqueue_dma source(%arg7 : memref<128x128xf32, #tpu.memory_space<vmem>>) target(%dma_start3A_78 : memref<128x128xf32, #tpu.memory_space<hbm>>) target_semaphore(%run_scoped3A : memref<!tpu.dma_semaphore, #tpu.memory_space<semaphore_mem>>)
      %dma_wait3A_79 = arith.constant 0 : i32
      %dma_wait3A_80 = tpu.memref_slice %arg4[%add3A_45, %dma_wait3A_79] : memref<16384x128xf32, #tpu.memory_space<hbm>> -> memref<128x128xf32, #tpu.memory_space<hbm>>
      %dma_wait3A_81 = arith.constant 0 : i32
      %dma_wait3A_82 = tpu.memref_slice %arg4[%add3A_45, %dma_wait3A_81] : memref<16384x128xf32, #tpu.memory_space<hbm>> -> memref<128x128xf32, #tpu.memory_space<hbm>>
      tpu.wait_dma2 semaphore(%run_scoped3A : memref<!tpu.dma_semaphore, #tpu.memory_space<semaphore_mem>>) src(%arg7 : memref<128x128xf32, #tpu.memory_space<vmem>>) dst(%dma_wait3A_82 : memref<128x128xf32, #tpu.memory_space<hbm>>)
      tpu.yield
    }) : () -> ()
    %dma_start3A_46 = arith.constant 3 : i32
    %dma_start3A_47 = arith.constant 0 : i32
    %dma_start3A_48 = tpu.memref_slice %arg5[%dma_start3A_46, %dma_start3A_47] : memref<4x128xi32, #tpu.memory_space<vmem>> -> memref<1x128xi32, #tpu.memory_space<vmem>>
    %dma_start3A_49 = tpu.memref_squeeze %dma_start3A_48 : memref<1x128xi32, #tpu.memory_space<vmem>> -> memref<128xi32, #tpu.memory_space<vmem>>
    %dma_start3A_50 = arith.constant 0 : i32
    %dma_start3A_51 = arith.constant 0 : i32
    %dma_start3A_52 = tpu.memref_slice %arg2[%dma_start3A_50, %dma_start3A_51] : memref<65536x128xf32, #tpu.memory_space<hbm>> -> memref<65536x128xf32, #tpu.memory_space<hbm>>
    tpu.enqueue_indirect_dma source(%dma_start3A_52 : memref<65536x128xf32, #tpu.memory_space<hbm>>) target(%arg7 : memref<128x128xf32, #tpu.memory_space<vmem>>) offsets(%dma_start3A_49 : memref<128xi32, #tpu.memory_space<vmem>>) semaphore(%arg9 : memref<!tpu.dma_semaphore, #tpu.memory_space<semaphore_mem>>)
    %dma_wait3A_53 = arith.constant 2 : i32
    %dma_wait3A_54 = arith.constant 0 : i32
    %dma_wait3A_55 = tpu.memref_slice %arg5[%dma_wait3A_53, %dma_wait3A_54] : memref<4x128xi32, #tpu.memory_space<vmem>> -> memref<1x128xi32, #tpu.memory_space<vmem>>
    %dma_wait3A_56 = tpu.memref_squeeze %dma_wait3A_55 : memref<1x128xi32, #tpu.memory_space<vmem>> -> memref<128xi32, #tpu.memory_space<vmem>>
    %dma_wait3A_57 = arith.constant 0 : i32
    %dma_wait3A_58 = arith.constant 0 : i32
    %dma_wait3A_59 = tpu.memref_slice %arg2[%dma_wait3A_57, %dma_wait3A_58] : memref<65536x128xf32, #tpu.memory_space<hbm>> -> memref<65536x128xf32, #tpu.memory_space<hbm>>
    tpu.wait_indirect_dma semaphore(%arg8 : memref<!tpu.dma_semaphore, #tpu.memory_space<semaphore_mem>>) src(%dma_wait3A_59 : memref<65536x128xf32, #tpu.memory_space<hbm>>) dst(%arg6 : memref<128x128xf32, #tpu.memory_space<vmem>>)
    %mul3A_60 = arith.constant 512 : i32
    %mul3A_61 = arith.muli %add3A, %mul3A_60 : i32
    %add3A_62 = arith.constant 256 : i32
    %add3A_63 = arith.addi %mul3A_61, %add3A_62 : i32
    "tpu.region"() ({
      %run_scoped3A = tpu.sem_alloc : memref<!tpu.dma_semaphore, #tpu.memory_space<semaphore_mem>>
      %dma_start3A_75 = arith.constant 0 : i32
      %dma_start3A_76 = tpu.memref_slice %arg4[%add3A_63, %dma_start3A_75] : memref<16384x128xf32, #tpu.memory_space<hbm>> -> memref<128x128xf32, #tpu.memory_space<hbm>>
      %dma_start3A_77 = arith.constant 0 : i32
      %dma_start3A_78 = tpu.memref_slice %arg4[%add3A_63, %dma_start3A_77] : memref<16384x128xf32, #tpu.memory_space<hbm>> -> memref<128x128xf32, #tpu.memory_space<hbm>>
      tpu.enqueue_dma source(%arg6 : memref<128x128xf32, #tpu.memory_space<vmem>>) target(%dma_start3A_78 : memref<128x128xf32, #tpu.memory_space<hbm>>) target_semaphore(%run_scoped3A : memref<!tpu.dma_semaphore, #tpu.memory_space<semaphore_mem>>)
      %dma_wait3A_79 = arith.constant 0 : i32
      %dma_wait3A_80 = tpu.memref_slice %arg4[%add3A_63, %dma_wait3A_79] : memref<16384x128xf32, #tpu.memory_space<hbm>> -> memref<128x128xf32, #tpu.memory_space<hbm>>
      %dma_wait3A_81 = arith.constant 0 : i32
      %dma_wait3A_82 = tpu.memref_slice %arg4[%add3A_63, %dma_wait3A_81] : memref<16384x128xf32, #tpu.memory_space<hbm>> -> memref<128x128xf32, #tpu.memory_space<hbm>>
      tpu.wait_dma2 semaphore(%run_scoped3A : memref<!tpu.dma_semaphore, #tpu.memory_space<semaphore_mem>>) src(%arg6 : memref<128x128xf32, #tpu.memory_space<vmem>>) dst(%dma_wait3A_82 : memref<128x128xf32, #tpu.memory_space<hbm>>)
      tpu.yield
    }) : () -> ()
    %dma_wait3A_64 = arith.constant 3 : i32
    %dma_wait3A_65 = arith.constant 0 : i32
    %dma_wait3A_66 = tpu.memref_slice %arg5[%dma_wait3A_64, %dma_wait3A_65] : memref<4x128xi32, #tpu.memory_space<vmem>> -> memref<1x128xi32, #tpu.memory_space<vmem>>
    %dma_wait3A_67 = tpu.memref_squeeze %dma_wait3A_66 : memref<1x128xi32, #tpu.memory_space<vmem>> -> memref<128xi32, #tpu.memory_space<vmem>>
    %dma_wait3A_68 = arith.constant 0 : i32
    %dma_wait3A_69 = arith.constant 0 : i32
    %dma_wait3A_70 = tpu.memref_slice %arg2[%dma_wait3A_68, %dma_wait3A_69] : memref<65536x128xf32, #tpu.memory_space<hbm>> -> memref<65536x128xf32, #tpu.memory_space<hbm>>
    tpu.wait_indirect_dma semaphore(%arg9 : memref<!tpu.dma_semaphore, #tpu.memory_space<semaphore_mem>>) src(%dma_wait3A_70 : memref<65536x128xf32, #tpu.memory_space<hbm>>) dst(%arg7 : memref<128x128xf32, #tpu.memory_space<vmem>>)
    %mul3A_71 = arith.constant 512 : i32
    %mul3A_72 = arith.muli %add3A, %mul3A_71 : i32
    %add3A_73 = arith.constant 384 : i32
    %add3A_74 = arith.addi %mul3A_72, %add3A_73 : i32
    "tpu.region"() ({
      %run_scoped3A = tpu.sem_alloc : memref<!tpu.dma_semaphore, #tpu.memory_space<semaphore_mem>>
      %dma_start3A_75 = arith.constant 0 : i32
      %dma_start3A_76 = tpu.memref_slice %arg4[%add3A_74, %dma_start3A_75] : memref<16384x128xf32, #tpu.memory_space<hbm>> -> memref<128x128xf32, #tpu.memory_space<hbm>>
      %dma_start3A_77 = arith.constant 0 : i32
      %dma_start3A_78 = tpu.memref_slice %arg4[%add3A_74, %dma_start3A_77] : memref<16384x128xf32, #tpu.memory_space<hbm>> -> memref<128x128xf32, #tpu.memory_space<hbm>>
      tpu.enqueue_dma source(%arg7 : memref<128x128xf32, #tpu.memory_space<vmem>>) target(%dma_start3A_78 : memref<128x128xf32, #tpu.memory_space<hbm>>) target_semaphore(%run_scoped3A : memref<!tpu.dma_semaphore, #tpu.memory_space<semaphore_mem>>)
      %dma_wait3A_79 = arith.constant 0 : i32
      %dma_wait3A_80 = tpu.memref_slice %arg4[%add3A_74, %dma_wait3A_79] : memref<16384x128xf32, #tpu.memory_space<hbm>> -> memref<128x128xf32, #tpu.memory_space<hbm>>
      %dma_wait3A_81 = arith.constant 0 : i32
      %dma_wait3A_82 = tpu.memref_slice %arg4[%add3A_74, %dma_wait3A_81] : memref<16384x128xf32, #tpu.memory_space<hbm>> -> memref<128x128xf32, #tpu.memory_space<hbm>>
      tpu.wait_dma2 semaphore(%run_scoped3A : memref<!tpu.dma_semaphore, #tpu.memory_space<semaphore_mem>>) src(%arg7 : memref<128x128xf32, #tpu.memory_space<vmem>>) dst(%dma_wait3A_82 : memref<128x128xf32, #tpu.memory_space<hbm>>)
      tpu.yield
    }) : () -> ()
    return
  }
}

#map = affine_map<(d0, d1) -> (0, 0)>
module attributes {stable_mosaic.version = 14 : i64} {
  func.func @body(%arg0: i32, %arg1: i32, %arg2: memref<65536x128xf32, #tpu.memory_space<hbm>>, %arg3: memref<256x128xi32, #tpu.memory_space<hbm>>, %arg4: memref<16384x128xf32, #tpu.memory_space<hbm>>, %arg5: memref<4x128xi32, #tpu.memory_space<vmem>>, %arg6: memref<128x128xf32, #tpu.memory_space<vmem>>, %arg7: memref<128x128xf32, #tpu.memory_space<vmem>>, %arg8: memref<!tpu.dma_semaphore, #tpu.memory_space<semaphore_mem>>, %arg9: memref<!tpu.dma_semaphore, #tpu.memory_space<semaphore_mem>>) attributes {dimension_semantics = [#tpu.dimension_semantics<core_parallel>, #tpu.dimension_semantics<subcore_parallel>], iteration_bounds = array<i64: 2, 16>, scalar_prefetch = 0 : i64, scratch_operands = 5 : i64, tpu.core_type = #tpu.core_type<sc_vector_subcore>, window_params = [{transform_indices = #map}, {transform_indices = #map}, {transform_indices = #map}]} {
    %mul3A = arith.constant 2 : i32
    %mul3A_0 = arith.muli %arg1, %mul3A : i32
    %add3A = arith.addi %mul3A_0, %arg0 : i32
    %mul3A_1 = arith.constant 4 : i32
    %mul3A_2 = arith.muli %add3A, %mul3A_1 : i32
    %add3A_3 = arith.constant 0 : i32
    %add3A_4 = arith.addi %add3A_3, %mul3A_2 : i32
    "tpu.region"() ({
      %run_scoped3A = tpu.sem_alloc : memref<!tpu.dma_semaphore, #tpu.memory_space<semaphore_mem>>
      %dma_start3A_75 = arith.constant 0 : i32
      %dma_start3A_76 = tpu.memref_slice %arg3[%add3A_4, %dma_start3A_75] : memref<256x128xi32, #tpu.memory_space<hbm>> -> memref<4x128xi32, #tpu.memory_space<hbm>>
      %dma_start3A_77 = arith.constant 0 : i32
      %dma_start3A_78 = tpu.memref_slice %arg3[%add3A_4, %dma_start3A_77] : memref<256x128xi32, #tpu.memory_space<hbm>> -> memref<4x128xi32, #tpu.memory_space<hbm>>
      tpu.enqueue_dma source(%dma_start3A_78 : memref<4x128xi32, #tpu.memory_space<hbm>>) target(%arg5 : memref<4x128xi32, #tpu.memory_space<vmem>>) target_semaphore(%run_scoped3A : memref<!tpu.dma_semaphore, #tpu.memory_space<semaphore_mem>>)
      %dma_wait3A_79 = arith.constant 0 : i32
      %dma_wait3A_80 = tpu.memref_slice %arg3[%add3A_4, %dma_wait3A_79] : memref<256x128xi32, #tpu.memory_space<hbm>> -> memref<4x128xi32, #tpu.memory_space<hbm>>
      %dma_wait3A_81 = arith.constant 0 : i32
      %dma_wait3A_82 = tpu.memref_slice %arg3[%add3A_4, %dma_wait3A_81] : memref<256x128xi32, #tpu.memory_space<hbm>> -> memref<4x128xi32, #tpu.memory_space<hbm>>
      tpu.wait_dma2 semaphore(%run_scoped3A : memref<!tpu.dma_semaphore, #tpu.memory_space<semaphore_mem>>) src(%dma_wait3A_82 : memref<4x128xi32, #tpu.memory_space<hbm>>) dst(%arg5 : memref<4x128xi32, #tpu.memory_space<vmem>>)
      tpu.yield
    }) : () -> ()
    %dma_start3A = arith.constant 0 : i32
    %dma_start3A_5 = arith.constant 0 : i32
    %dma_start3A_6 = tpu.memref_slice %arg5[%dma_start3A, %dma_start3A_5] : memref<4x128xi32, #tpu.memory_space<vmem>> -> memref<1x128xi32, #tpu.memory_space<vmem>>
    %dma_start3A_7 = tpu.memref_squeeze %dma_start3A_6 : memref<1x128xi32, #tpu.memory_space<vmem>> -> memref<128xi32, #tpu.memory_space<vmem>>
    %dma_start3A_8 = arith.constant 0 : i32
    %dma_start3A_9 = arith.constant 0 : i32
    %dma_start3A_10 = tpu.memref_slice %arg2[%dma_start3A_8, %dma_start3A_9] : memref<65536x128xf32, #tpu.memory_space<hbm>> -> memref<65536x128xf32, #tpu.memory_space<hbm>>
    tpu.enqueue_indirect_dma source(%dma_start3A_10 : memref<65536x128xf32, #tpu.memory_space<hbm>>) target(%arg6 : memref<128x128xf32, #tpu.memory_space<vmem>>) offsets(%dma_start3A_7 : memref<128xi32, #tpu.memory_space<vmem>>) semaphore(%arg8 : memref<!tpu.dma_semaphore, #tpu.memory_space<semaphore_mem>>)
    %dma_start3A_11 = arith.constant 1 : i32
    %dma_start3A_12 = arith.constant 0 : i32
    %dma_start3A_13 = tpu.memref_slice %arg5[%dma_start3A_11, %dma_start3A_12] : memref<4x128xi32, #tpu.memory_space<vmem>> -> memref<1x128xi32, #tpu.memory_space<vmem>>
    %dma_start3A_14 = tpu.memref_squeeze %dma_start3A_13 : memref<1x128xi32, #tpu.memory_space<vmem>> -> memref<128xi32, #tpu.memory_space<vmem>>
    %dma_start3A_15 = arith.constant 0 : i32
    %dma_start3A_16 = arith.constant 0 : i32
    %dma_start3A_17 = tpu.memref_slice %arg2[%dma_start3A_15, %dma_start3A_16] : memref<65536x128xf32, #tpu.memory_space<hbm>> -> memref<65536x128xf32, #tpu.memory_space<hbm>>
    tpu.enqueue_indirect_dma source(%dma_start3A_17 : memref<65536x128xf32, #tpu.memory_space<hbm>>) target(%arg7 : memref<128x128xf32, #tpu.memory_space<vmem>>) offsets(%dma_start3A_14 : memref<128xi32, #tpu.memory_space<vmem>>) semaphore(%arg9 : memref<!tpu.dma_semaphore, #tpu.memory_space<semaphore_mem>>)
    %dma_wait3A = arith.constant 0 : i32
    %dma_wait3A_18 = arith.constant 0 : i32
    %dma_wait3A_19 = tpu.memref_slice %arg5[%dma_wait3A, %dma_wait3A_18] : memref<4x128xi32, #tpu.memory_space<vmem>> -> memref<1x128xi32, #tpu.memory_space<vmem>>
    %dma_wait3A_20 = tpu.memref_squeeze %dma_wait3A_19 : memref<1x128xi32, #tpu.memory_space<vmem>> -> memref<128xi32, #tpu.memory_space<vmem>>
    %dma_wait3A_21 = arith.constant 0 : i32
    %dma_wait3A_22 = arith.constant 0 : i32
    %dma_wait3A_23 = tpu.memref_slice %arg2[%dma_wait3A_21, %dma_wait3A_22] : memref<65536x128xf32, #tpu.memory_space<hbm>> -> memref<65536x128xf32, #tpu.memory_space<hbm>>
    tpu.wait_indirect_dma semaphore(%arg8 : memref<!tpu.dma_semaphore, #tpu.memory_space<semaphore_mem>>) src(%dma_wait3A_23 : memref<65536x128xf32, #tpu.memory_space<hbm>>) dst(%arg6 : memref<128x128xf32, #tpu.memory_space<vmem>>)
    %mul3A_24 = arith.constant 512 : i32
    %mul3A_25 = arith.muli %add3A, %mul3A_24 : i32
    %add3A_26 = arith.constant 0 : i32
    %add3A_27 = arith.addi %mul3A_25, %add3A_26 : i32
    "tpu.region"() ({
      %run_scoped3A = tpu.sem_alloc : memref<!tpu.dma_semaphore, #tpu.memory_space<semaphore_mem>>
      %dma_start3A_75 = arith.constant 0 : i32
      %dma_start3A_76 = tpu.memref_slice %arg4[%add3A_27, %dma_start3A_75] : memref<16384x128xf32, #tpu.memory_space<hbm>> -> memref<128x128xf32, #tpu.memory_space<hbm>>
      %dma_start3A_77 = arith.constant 0 : i32
      %dma_start3A_78 = tpu.memref_slice %arg4[%add3A_27, %dma_start3A_77] : memref<16384x128xf32, #tpu.memory_space<hbm>> -> memref<128x128xf32, #tpu.memory_space<hbm>>
      tpu.enqueue_dma source(%arg6 : memref<128x128xf32, #tpu.memory_space<vmem>>) target(%dma_start3A_78 : memref<128x128xf32, #tpu.memory_space<hbm>>) target_semaphore(%run_scoped3A : memref<!tpu.dma_semaphore, #tpu.memory_space<semaphore_mem>>)
      %dma_wait3A_79 = arith.constant 0 : i32
      %dma_wait3A_80 = tpu.memref_slice %arg4[%add3A_27, %dma_wait3A_79] : memref<16384x128xf32, #tpu.memory_space<hbm>> -> memref<128x128xf32, #tpu.memory_space<hbm>>
      %dma_wait3A_81 = arith.constant 0 : i32
      %dma_wait3A_82 = tpu.memref_slice %arg4[%add3A_27, %dma_wait3A_81] : memref<16384x128xf32, #tpu.memory_space<hbm>> -> memref<128x128xf32, #tpu.memory_space<hbm>>
      tpu.wait_dma2 semaphore(%run_scoped3A : memref<!tpu.dma_semaphore, #tpu.memory_space<semaphore_mem>>) src(%arg6 : memref<128x128xf32, #tpu.memory_space<vmem>>) dst(%dma_wait3A_82 : memref<128x128xf32, #tpu.memory_space<hbm>>)
      tpu.yield
    }) : () -> ()
    %dma_start3A_28 = arith.constant 2 : i32
    %dma_start3A_29 = arith.constant 0 : i32
    %dma_start3A_30 = tpu.memref_slice %arg5[%dma_start3A_28, %dma_start3A_29] : memref<4x128xi32, #tpu.memory_space<vmem>> -> memref<1x128xi32, #tpu.memory_space<vmem>>
    %dma_start3A_31 = tpu.memref_squeeze %dma_start3A_30 : memref<1x128xi32, #tpu.memory_space<vmem>> -> memref<128xi32, #tpu.memory_space<vmem>>
    %dma_start3A_32 = arith.constant 0 : i32
    %dma_start3A_33 = arith.constant 0 : i32
    %dma_start3A_34 = tpu.memref_slice %arg2[%dma_start3A_32, %dma_start3A_33] : memref<65536x128xf32, #tpu.memory_space<hbm>> -> memref<65536x128xf32, #tpu.memory_space<hbm>>
    tpu.enqueue_indirect_dma source(%dma_start3A_34 : memref<65536x128xf32, #tpu.memory_space<hbm>>) target(%arg6 : memref<128x128xf32, #tpu.memory_space<vmem>>) offsets(%dma_start3A_31 : memref<128xi32, #tpu.memory_space<vmem>>) semaphore(%arg8 : memref<!tpu.dma_semaphore, #tpu.memory_space<semaphore_mem>>)
    %dma_wait3A_35 = arith.constant 1 : i32
    %dma_wait3A_36 = arith.constant 0 : i32
    %dma_wait3A_37 = tpu.memref_slice %arg5[%dma_wait3A_35, %dma_wait3A_36] : memref<4x128xi32, #tpu.memory_space<vmem>> -> memref<1x128xi32, #tpu.memory_space<vmem>>
    %dma_wait3A_38 = tpu.memref_squeeze %dma_wait3A_37 : memref<1x128xi32, #tpu.memory_space<vmem>> -> memref<128xi32, #tpu.memory_space<vmem>>
    %dma_wait3A_39 = arith.constant 0 : i32
    %dma_wait3A_40 = arith.constant 0 : i32
    %dma_wait3A_41 = tpu.memref_slice %arg2[%dma_wait3A_39, %dma_wait3A_40] : memref<65536x128xf32, #tpu.memory_space<hbm>> -> memref<65536x128xf32, #tpu.memory_space<hbm>>
    tpu.wait_indirect_dma semaphore(%arg9 : memref<!tpu.dma_semaphore, #tpu.memory_space<semaphore_mem>>) src(%dma_wait3A_41 : memref<65536x128xf32, #tpu.memory_space<hbm>>) dst(%arg7 : memref<128x128xf32, #tpu.memory_space<vmem>>)
    %mul3A_42 = arith.constant 512 : i32
    %mul3A_43 = arith.muli %add3A, %mul3A_42 : i32
    %add3A_44 = arith.constant 128 : i32
    %add3A_45 = arith.addi %mul3A_43, %add3A_44 : i32
    "tpu.region"() ({
      %run_scoped3A = tpu.sem_alloc : memref<!tpu.dma_semaphore, #tpu.memory_space<semaphore_mem>>
      %dma_start3A_75 = arith.constant 0 : i32
      %dma_start3A_76 = tpu.memref_slice %arg4[%add3A_45, %dma_start3A_75] : memref<16384x128xf32, #tpu.memory_space<hbm>> -> memref<128x128xf32, #tpu.memory_space<hbm>>
      %dma_start3A_77 = arith.constant 0 : i32
      %dma_start3A_78 = tpu.memref_slice %arg4[%add3A_45, %dma_start3A_77] : memref<16384x128xf32, #tpu.memory_space<hbm>> -> memref<128x128xf32, #tpu.memory_space<hbm>>
      tpu.enqueue_dma source(%arg7 : memref<128x128xf32, #tpu.memory_space<vmem>>) target(%dma_start3A_78 : memref<128x128xf32, #tpu.memory_space<hbm>>) target_semaphore(%run_scoped3A : memref<!tpu.dma_semaphore, #tpu.memory_space<semaphore_mem>>)
      %dma_wait3A_79 = arith.constant 0 : i32
      %dma_wait3A_80 = tpu.memref_slice %arg4[%add3A_45, %dma_wait3A_79] : memref<16384x128xf32, #tpu.memory_space<hbm>> -> memref<128x128xf32, #tpu.memory_space<hbm>>
      %dma_wait3A_81 = arith.constant 0 : i32
      %dma_wait3A_82 = tpu.memref_slice %arg4[%add3A_45, %dma_wait3A_81] : memref<16384x128xf32, #tpu.memory_space<hbm>> -> memref<128x128xf32, #tpu.memory_space<hbm>>
      tpu.wait_dma2 semaphore(%run_scoped3A : memref<!tpu.dma_semaphore, #tpu.memory_space<semaphore_mem>>) src(%arg7 : memref<128x128xf32, #tpu.memory_space<vmem>>) dst(%dma_wait3A_82 : memref<128x128xf32, #tpu.memory_space<hbm>>)
      tpu.yield
    }) : () -> ()
    %dma_start3A_46 = arith.constant 3 : i32
    %dma_start3A_47 = arith.constant 0 : i32
    %dma_start3A_48 = tpu.memref_slice %arg5[%dma_start3A_46, %dma_start3A_47] : memref<4x128xi32, #tpu.memory_space<vmem>> -> memref<1x128xi32, #tpu.memory_space<vmem>>
    %dma_start3A_49 = tpu.memref_squeeze %dma_start3A_48 : memref<1x128xi32, #tpu.memory_space<vmem>> -> memref<128xi32, #tpu.memory_space<vmem>>
    %dma_start3A_50 = arith.constant 0 : i32
    %dma_start3A_51 = arith.constant 0 : i32
    %dma_start3A_52 = tpu.memref_slice %arg2[%dma_start3A_50, %dma_start3A_51] : memref<65536x128xf32, #tpu.memory_space<hbm>> -> memref<65536x128xf32, #tpu.memory_space<hbm>>
    tpu.enqueue_indirect_dma source(%dma_start3A_52 : memref<65536x128xf32, #tpu.memory_space<hbm>>) target(%arg7 : memref<128x128xf32, #tpu.memory_space<vmem>>) offsets(%dma_start3A_49 : memref<128xi32, #tpu.memory_space<vmem>>) semaphore(%arg9 : memref<!tpu.dma_semaphore, #tpu.memory_space<semaphore_mem>>)
    %dma_wait3A_53 = arith.constant 2 : i32
    %dma_wait3A_54 = arith.constant 0 : i32
    %dma_wait3A_55 = tpu.memref_slice %arg5[%dma_wait3A_53, %dma_wait3A_54] : memref<4x128xi32, #tpu.memory_space<vmem>> -> memref<1x128xi32, #tpu.memory_space<vmem>>
    %dma_wait3A_56 = tpu.memref_squeeze %dma_wait3A_55 : memref<1x128xi32, #tpu.memory_space<vmem>> -> memref<128xi32, #tpu.memory_space<vmem>>
    %dma_wait3A_57 = arith.constant 0 : i32
    %dma_wait3A_58 = arith.constant 0 : i32
    %dma_wait3A_59 = tpu.memref_slice %arg2[%dma_wait3A_57, %dma_wait3A_58] : memref<65536x128xf32, #tpu.memory_space<hbm>> -> memref<65536x128xf32, #tpu.memory_space<hbm>>
    tpu.wait_indirect_dma semaphore(%arg8 : memref<!tpu.dma_semaphore, #tpu.memory_space<semaphore_mem>>) src(%dma_wait3A_59 : memref<65536x128xf32, #tpu.memory_space<hbm>>) dst(%arg6 : memref<128x128xf32, #tpu.memory_space<vmem>>)
    %mul3A_60 = arith.constant 512 : i32
    %mul3A_61 = arith.muli %add3A, %mul3A_60 : i32
    %add3A_62 = arith.constant 256 : i32
    %add3A_63 = arith.addi %mul3A_61, %add3A_62 : i32
    "tpu.region"() ({
      %run_scoped3A = tpu.sem_alloc : memref<!tpu.dma_semaphore, #tpu.memory_space<semaphore_mem>>
      %dma_start3A_75 = arith.constant 0 : i32
      %dma_start3A_76 = tpu.memref_slice %arg4[%add3A_63, %dma_start3A_75] : memref<16384x128xf32, #tpu.memory_space<hbm>> -> memref<128x128xf32, #tpu.memory_space<hbm>>
      %dma_start3A_77 = arith.constant 0 : i32
      %dma_start3A_78 = tpu.memref_slice %arg4[%add3A_63, %dma_start3A_77] : memref<16384x128xf32, #tpu.memory_space<hbm>> -> memref<128x128xf32, #tpu.memory_space<hbm>>
      tpu.enqueue_dma source(%arg6 : memref<128x128xf32, #tpu.memory_space<vmem>>) target(%dma_start3A_78 : memref<128x128xf32, #tpu.memory_space<hbm>>) target_semaphore(%run_scoped3A : memref<!tpu.dma_semaphore, #tpu.memory_space<semaphore_mem>>)
      %dma_wait3A_79 = arith.constant 0 : i32
      %dma_wait3A_80 = tpu.memref_slice %arg4[%add3A_63, %dma_wait3A_79] : memref<16384x128xf32, #tpu.memory_space<hbm>> -> memref<128x128xf32, #tpu.memory_space<hbm>>
      %dma_wait3A_81 = arith.constant 0 : i32
      %dma_wait3A_82 = tpu.memref_slice %arg4[%add3A_63, %dma_wait3A_81] : memref<16384x128xf32, #tpu.memory_space<hbm>> -> memref<128x128xf32, #tpu.memory_space<hbm>>
      tpu.wait_dma2 semaphore(%run_scoped3A : memref<!tpu.dma_semaphore, #tpu.memory_space<semaphore_mem>>) src(%arg6 : memref<128x128xf32, #tpu.memory_space<vmem>>) dst(%dma_wait3A_82 : memref<128x128xf32, #tpu.memory_space<hbm>>)
      tpu.yield
    }) : () -> ()
    %dma_wait3A_64 = arith.constant 3 : i32
    %dma_wait3A_65 = arith.constant 0 : i32
    %dma_wait3A_66 = tpu.memref_slice %arg5[%dma_wait3A_64, %dma_wait3A_65] : memref<4x128xi32, #tpu.memory_space<vmem>> -> memref<1x128xi32, #tpu.memory_space<vmem>>
    %dma_wait3A_67 = tpu.memref_squeeze %dma_wait3A_66 : memref<1x128xi32, #tpu.memory_space<vmem>> -> memref<128xi32, #tpu.memory_space<vmem>>
    %dma_wait3A_68 = arith.constant 0 : i32
    %dma_wait3A_69 = arith.constant 0 : i32
    %dma_wait3A_70 = tpu.memref_slice %arg2[%dma_wait3A_68, %dma_wait3A_69] : memref<65536x128xf32, #tpu.memory_space<hbm>> -> memref<65536x128xf32, #tpu.memory_space<hbm>>
    tpu.wait_indirect_dma semaphore(%arg9 : memref<!tpu.dma_semaphore, #tpu.memory_space<semaphore_mem>>) src(%dma_wait3A_70 : memref<65536x128xf32, #tpu.memory_space<hbm>>) dst(%arg7 : memref<128x128xf32, #tpu.memory_space<vmem>>)
    %mul3A_71 = arith.constant 512 : i32
    %mul3A_72 = arith.muli %add3A, %mul3A_71 : i32
    %add3A_73 = arith.constant 384 : i32
    %add3A_74 = arith.addi %mul3A_72, %add3A_73 : i32
    "tpu.region"() ({
      %run_scoped3A = tpu.sem_alloc : memref<!tpu.dma_semaphore, #tpu.memory_space<semaphore_mem>>
      %dma_start3A_75 = arith.constant 0 : i32
      %dma_start3A_76 = tpu.memref_slice %arg4[%add3A_74, %dma_start3A_75] : memref<16384x128xf32, #tpu.memory_space<hbm>> -> memref<128x128xf32, #tpu.memory_space<hbm>>
      %dma_start3A_77 = arith.constant 0 : i32
      %dma_start3A_78 = tpu.memref_slice %arg4[%add3A_74, %dma_start3A_77] : memref<16384x128xf32, #tpu.memory_space<hbm>> -> memref<128x128xf32, #tpu.memory_space<hbm>>
      tpu.enqueue_dma source(%arg7 : memref<128x128xf32, #tpu.memory_space<vmem>>) target(%dma_start3A_78 : memref<128x128xf32, #tpu.memory_space<hbm>>) target_semaphore(%run_scoped3A : memref<!tpu.dma_semaphore, #tpu.memory_space<semaphore_mem>>)
      %dma_wait3A_79 = arith.constant 0 : i32
      %dma_wait3A_80 = tpu.memref_slice %arg4[%add3A_74, %dma_wait3A_79] : memref<16384x128xf32, #tpu.memory_space<hbm>> -> memref<128x128xf32, #tpu.memory_space<hbm>>
      %dma_wait3A_81 = arith.constant 0 : i32
      %dma_wait3A_82 = tpu.memref_slice %arg4[%add3A_74, %dma_wait3A_81] : memref<16384x128xf32, #tpu.memory_space<hbm>> -> memref<128x128xf32, #tpu.memory_space<hbm>>
      tpu.wait_dma2 semaphore(%run_scoped3A : memref<!tpu.dma_semaphore, #tpu.memory_space<semaphore_mem>>) src(%arg7 : memref<128x128xf32, #tpu.memory_space<vmem>>) dst(%dma_wait3A_82 : memref<128x128xf32, #tpu.memory_space<hbm>>)
      tpu.yield
    }) : () -> ()
    return
  }
}

#map = affine_map<(d0, d1) -> (0)>
#map1 = affine_map<(d0, d1) -> (0, 0)>
module attributes {stable_mosaic.version = 14 : i64} {
  func.func @_sc_scatter_body(%arg0: i32, %arg1: i32, %arg2: memref<36864xf32, #tpu.memory_space<hbm>>, %arg3: memref<36864xi32, #tpu.memory_space<hbm>>, %arg4: memref<32x16xi32, #tpu.memory_space<hbm>>, %arg5: memref<16x4096xf32, #tpu.memory_space<hbm>>, %arg6: memref<16xi32, #tpu.memory_space<vmem>>, %arg7: memref<2064xi32, #tpu.memory_space<vmem>>, %arg8: memref<2048xf32, #tpu.memory_space<vmem>>, %arg9: memref<4096xf32, #tpu.memory_space<vmem>>) attributes {dimension_semantics = [#tpu.dimension_semantics<core_parallel>, #tpu.dimension_semantics<subcore_parallel>], iteration_bounds = array<i64: 2, 16>, scalar_prefetch = 0 : i64, scratch_operands = 4 : i64, tpu.core_type = #tpu.core_type<sc_vector_subcore>, window_params = [{transform_indices = #map}, {transform_indices = #map}, {transform_indices = #map1}, {transform_indices = #map1}]} {
    %mul3A = arith.constant 2 : i32
    %mul3A_0 = arith.muli %arg1, %mul3A : i32
    %add3A = arith.addi %mul3A_0, %arg0 : i32
    %lt3A = arith.constant 16 : i32
    %lt3A_1 = arith.cmpi slt, %add3A, %lt3A : i32
    %convert_element_type3A = arith.extui %lt3A_1 : i1 to i32
    %cond3A = arith.constant 0 : i32
    %cond3A_2 = arith.cmpi ne, %convert_element_type3A, %cond3A : i32
    scf.if %cond3A_2 {
      "tpu.region"() ({
        %run_scoped3A = tpu.sem_alloc : memref<!tpu.dma_semaphore, #tpu.memory_space<semaphore_mem>>
        %dma_start3A = arith.constant 0 : i32
        %dma_start3A_68 = tpu.memref_slice %arg4[%add3A, %dma_start3A] : memref<32x16xi32, #tpu.memory_space<hbm>> -> memref<1x16xi32, #tpu.memory_space<hbm>>
        %dma_start3A_69 = tpu.memref_squeeze %dma_start3A_68 : memref<1x16xi32, #tpu.memory_space<hbm>> -> memref<16xi32, #tpu.memory_space<hbm>>
        %dma_start3A_70 = arith.constant 0 : i32
        %dma_start3A_71 = tpu.memref_slice %arg4[%add3A, %dma_start3A_70] : memref<32x16xi32, #tpu.memory_space<hbm>> -> memref<1x16xi32, #tpu.memory_space<hbm>>
        %dma_start3A_72 = tpu.memref_squeeze %dma_start3A_71 : memref<1x16xi32, #tpu.memory_space<hbm>> -> memref<16xi32, #tpu.memory_space<hbm>>
        tpu.enqueue_dma source(%dma_start3A_72 : memref<16xi32, #tpu.memory_space<hbm>>) target(%arg6 : memref<16xi32, #tpu.memory_space<vmem>>) target_semaphore(%run_scoped3A : memref<!tpu.dma_semaphore, #tpu.memory_space<semaphore_mem>>)
        %dma_wait3A = arith.constant 0 : i32
        %dma_wait3A_73 = tpu.memref_slice %arg4[%add3A, %dma_wait3A] : memref<32x16xi32, #tpu.memory_space<hbm>> -> memref<1x16xi32, #tpu.memory_space<hbm>>
        %dma_wait3A_74 = tpu.memref_squeeze %dma_wait3A_73 : memref<1x16xi32, #tpu.memory_space<hbm>> -> memref<16xi32, #tpu.memory_space<hbm>>
        %dma_wait3A_75 = arith.constant 0 : i32
        %dma_wait3A_76 = tpu.memref_slice %arg4[%add3A, %dma_wait3A_75] : memref<32x16xi32, #tpu.memory_space<hbm>> -> memref<1x16xi32, #tpu.memory_space<hbm>>
        %dma_wait3A_77 = tpu.memref_squeeze %dma_wait3A_76 : memref<1x16xi32, #tpu.memory_space<hbm>> -> memref<16xi32, #tpu.memory_space<hbm>>
        tpu.wait_dma2 semaphore(%run_scoped3A : memref<!tpu.dma_semaphore, #tpu.memory_space<semaphore_mem>>) src(%dma_wait3A_77 : memref<16xi32, #tpu.memory_space<hbm>>) dst(%arg6 : memref<16xi32, #tpu.memory_space<vmem>>)
        tpu.yield
      }) : () -> ()
      %get3A = arith.constant 0 : index
      %get3A_3 = tpu.vector_load %arg6[%get3A] {strides = array<i32>} : memref<16xi32, #tpu.memory_space<vmem>>, vector<16xi32>,
      %slice3A = vector.extract_strided_slice %get3A_3 {offsets = [0], sizes = [1], strides = [1]} : vector<16xi32> to vector<1xi32>
      %squeeze3A = vector.extract %slice3A[0] : i32 from vector<1xi32>
      %slice3A_4 = vector.extract_strided_slice %get3A_3 {offsets = [1], sizes = [1], strides = [1]} : vector<16xi32> to vector<1xi32>
      %squeeze3A_5 = vector.extract %slice3A_4[0] : i32 from vector<1xi32>
      %iota3A = tpu.iota {dimensions = array<i32: 0>} : vector<16xi32>
      %jit3A = arith.constant 8 : i32
      %div3A = arith.divsi %squeeze3A, %jit3A : i32
      %sign3A = arith.constant 0 : i32
      %sign3A_6 = arith.cmpi sgt, %squeeze3A, %sign3A : i32
      %sign3A_7 = arith.extui %sign3A_6 : i1 to i32
      %sign3A_8 = arith.constant 0 : i32
      %sign3A_9 = arith.cmpi slt, %squeeze3A, %sign3A_8 : i32
      %sign3A_10 = arith.extui %sign3A_9 : i1 to i32
      %sign3A_11 = arith.subi %sign3A_7, %sign3A_10 : i32
      %sign3A_12 = arith.constant 0 : i32
      %sign3A_13 = arith.cmpi sgt, %jit3A, %sign3A_12 : i32
      %sign3A_14 = arith.extui %sign3A_13 : i1 to i32
      %sign3A_15 = arith.constant 0 : i32
      %sign3A_16 = arith.cmpi slt, %jit3A, %sign3A_15 : i32
      %sign3A_17 = arith.extui %sign3A_16 : i1 to i32
      %sign3A_18 = arith.subi %sign3A_14, %sign3A_17 : i32
      %ne3A = arith.cmpi ne, %sign3A_11, %sign3A_18 : i32
      %rem3A = arith.remsi %squeeze3A, %jit3A : i32
      %ne3A_19 = arith.constant 0 : i32
      %ne3A_20 = arith.cmpi ne, %rem3A, %ne3A_19 : i32
      %and3A = arith.andi %ne3A, %ne3A_20 : i1
      %sub3A = arith.constant 1 : i32
      %sub3A_21 = arith.subi %div3A, %sub3A : i32
      %select_n3A = arith.select %and3A, %sub3A_21, %div3A : i32
      %mul3A_22 = arith.constant 8 : i32
      %mul3A_23 = arith.muli %select_n3A, %mul3A_22 : i32
      %sub3A_24 = arith.subi %squeeze3A_5, %mul3A_23 : i32
      %add3A_25 = arith.constant 2048 : i32
      %add3A_26 = arith.addi %sub3A_24, %add3A_25 : i32
      %sub3A_27 = arith.constant 1 : i32
      %sub3A_28 = arith.subi %add3A_26, %sub3A_27 : i32
      %jit3A_29 = arith.constant 2048 : i32
      %div3A_30 = arith.divsi %sub3A_28, %jit3A_29 : i32
      %sign3A_31 = arith.constant 0 : i32
      %sign3A_32 = arith.cmpi sgt, %sub3A_28, %sign3A_31 : i32
      %sign3A_33 = arith.extui %sign3A_32 : i1 to i32
      %sign3A_34 = arith.constant 0 : i32
      %sign3A_35 = arith.cmpi slt, %sub3A_28, %sign3A_34 : i32
      %sign3A_36 = arith.extui %sign3A_35 : i1 to i32
      %sign3A_37 = arith.subi %sign3A_33, %sign3A_36 : i32
      %sign3A_38 = arith.constant 0 : i32
      %sign3A_39 = arith.cmpi sgt, %jit3A_29, %sign3A_38 : i32
      %sign3A_40 = arith.extui %sign3A_39 : i1 to i32
      %sign3A_41 = arith.constant 0 : i32
      %sign3A_42 = arith.cmpi slt, %jit3A_29, %sign3A_41 : i32
      %sign3A_43 = arith.extui %sign3A_42 : i1 to i32
      %sign3A_44 = arith.subi %sign3A_40, %sign3A_43 : i32
      %ne3A_45 = arith.cmpi ne, %sign3A_37, %sign3A_44 : i32
      %rem3A_46 = arith.remsi %sub3A_28, %jit3A_29 : i32
      %ne3A_47 = arith.constant 0 : i32
      %ne3A_48 = arith.cmpi ne, %rem3A_46, %ne3A_47 : i32
      %and3A_49 = arith.andi %ne3A_45, %ne3A_48 : i1
      %sub3A_50 = arith.constant 1 : i32
      %sub3A_51 = arith.subi %div3A_30, %sub3A_50 : i32
      %select_n3A_52 = arith.select %and3A_49, %sub3A_51, %div3A_30 : i32
      %broadcast_in_dim3A = arith.constant 0.000000e+00 : f32
      %broadcast_in_dim3A_53 = vector.broadcast %broadcast_in_dim3A : f32 to vector<16xf32>
      %scan3A = arith.constant 0 : i32
      %scan3A_54 = arith.constant 0 : i32
      %scan3A_55 = arith.constant 256 : i32
      %scan3A_56 = arith.addi %scan3A_54, %scan3A_55 : i32
      %scan3A_57 = arith.constant 1 : i32
      scf.for %scan3A_68 = %scan3A_54 to %scan3A_56 step %scan3A_57  : i32 {
        %mul3A_69 = arith.constant 16 : i32
        %mul3A_70 = arith.muli %scan3A_68, %mul3A_69 : i32
        %swap3A = arith.index_cast %mul3A_70 : i32 to index
        %swap3A_71 = tpu.vector_load %arg9[%swap3A] {strides = array<i32>} : memref<4096xf32, #tpu.memory_space<vmem>>, vector<16xf32>,
        tpu.vector_store %arg9[%swap3A], %broadcast_in_dim3A_53 {strides = array<i32>} : memref<4096xf32, #tpu.memory_space<vmem>>, vector<16xf32>,
      }
      %scan3A_58 = arith.constant 256 : i32
      %while3A = arith.constant 0 : i32
      %while3A_59 = arith.constant 0 : i32
      %while3A_60 = arith.subi %select_n3A_52, %while3A_59 : i32
      %while3A_61 = arith.addi %while3A_59, %while3A_60 : i32
      %while3A_62 = arith.constant 1 : i32
      %while3A_63 = arith.divsi %while3A_60, %while3A_62 : i32
      %while3A_64 = arith.muli %while3A_63, %while3A_62 : i32
      %while3A_65 = arith.addi %while3A_59, %while3A_64 : i32
      %while3A_66 = arith.constant 1 : i32
      scf.for %while3A_68 = %while3A_59 to %while3A_65 step %while3A_66  : i32 {
        %mul3A_69 = arith.constant 2048 : i32
        %mul3A_70 = arith.muli %while3A_68, %mul3A_69 : i32
        %add3A_71 = arith.addi %mul3A_23, %mul3A_70 : i32
        "tpu.region"() ({
          %run_scoped3A = tpu.sem_alloc : memref<!tpu.dma_semaphore, #tpu.memory_space<semaphore_mem>>
          %dma_start3A = tpu.memref_slice %arg3[%add3A_71] : memref<36864xi32, #tpu.memory_space<hbm>> -> memref<2064xi32, #tpu.memory_space<hbm>>
          %dma_start3A_78 = tpu.memref_slice %arg3[%add3A_71] : memref<36864xi32, #tpu.memory_space<hbm>> -> memref<2064xi32, #tpu.memory_space<hbm>>
          tpu.enqueue_dma source(%dma_start3A_78 : memref<2064xi32, #tpu.memory_space<hbm>>) target(%arg7 : memref<2064xi32, #tpu.memory_space<vmem>>) target_semaphore(%run_scoped3A : memref<!tpu.dma_semaphore, #tpu.memory_space<semaphore_mem>>)
          %dma_wait3A = tpu.memref_slice %arg3[%add3A_71] : memref<36864xi32, #tpu.memory_space<hbm>> -> memref<2064xi32, #tpu.memory_space<hbm>>
          %dma_wait3A_79 = tpu.memref_slice %arg3[%add3A_71] : memref<36864xi32, #tpu.memory_space<hbm>> -> memref<2064xi32, #tpu.memory_space<hbm>>
          tpu.wait_dma2 semaphore(%run_scoped3A : memref<!tpu.dma_semaphore, #tpu.memory_space<semaphore_mem>>) src(%dma_wait3A_79 : memref<2064xi32, #tpu.memory_space<hbm>>) dst(%arg7 : memref<2064xi32, #tpu.memory_space<vmem>>)
          tpu.yield
        }) : () -> ()
        "tpu.region"() ({
          %run_scoped3A = tpu.sem_alloc : memref<!tpu.dma_semaphore, #tpu.memory_space<semaphore_mem>>
          %dma_start3A = tpu.memref_slice %arg2[%add3A_71] : memref<36864xf32, #tpu.memory_space<hbm>> -> memref<2048xf32, #tpu.memory_space<hbm>>
          %dma_start3A_78 = tpu.memref_slice %arg2[%add3A_71] : memref<36864xf32, #tpu.memory_space<hbm>> -> memref<2048xf32, #tpu.memory_space<hbm>>
          tpu.enqueue_dma source(%dma_start3A_78 : memref<2048xf32, #tpu.memory_space<hbm>>) target(%arg8 : memref<2048xf32, #tpu.memory_space<vmem>>) target_semaphore(%run_scoped3A : memref<!tpu.dma_semaphore, #tpu.memory_space<semaphore_mem>>)
          %dma_wait3A = tpu.memref_slice %arg2[%add3A_71] : memref<36864xf32, #tpu.memory_space<hbm>> -> memref<2048xf32, #tpu.memory_space<hbm>>
          %dma_wait3A_79 = tpu.memref_slice %arg2[%add3A_71] : memref<36864xf32, #tpu.memory_space<hbm>> -> memref<2048xf32, #tpu.memory_space<hbm>>
          tpu.wait_dma2 semaphore(%run_scoped3A : memref<!tpu.dma_semaphore, #tpu.memory_space<semaphore_mem>>) src(%dma_wait3A_79 : memref<2048xf32, #tpu.memory_space<hbm>>) dst(%arg8 : memref<2048xf32, #tpu.memory_space<vmem>>)
          tpu.yield
        }) : () -> ()
        %scan3A_72 = arith.constant 0 : i32
        %scan3A_73 = arith.constant 0 : i32
        %scan3A_74 = arith.constant 128 : i32
        %scan3A_75 = arith.addi %scan3A_73, %scan3A_74 : i32
        %scan3A_76 = arith.constant 1 : i32
        scf.for %scan3A_78 = %scan3A_73 to %scan3A_75 step %scan3A_76  : i32 {
          %mul3A_79 = arith.constant 16 : i32
          %mul3A_80 = arith.muli %scan3A_78, %mul3A_79 : i32
          %add3A_81 = arith.addi %add3A_71, %mul3A_80 : i32
          %add3A_82 = vector.broadcast %add3A_81 : i32 to vector<16xi32>
          %add3A_83 = arith.addi %add3A_82, %iota3A : vector<16xi32>
          %get3A_84 = arith.index_cast %mul3A_80 : i32 to index
          %get3A_85 = tpu.vector_load %arg7[%get3A_84] {strides = array<i32>} : memref<2064xi32, #tpu.memory_space<vmem>>, vector<16xi32>,
          %get3A_86 = arith.index_cast %mul3A_80 : i32 to index
          %get3A_87 = tpu.vector_load %arg8[%get3A_86] {strides = array<i32>} : memref<2048xf32, #tpu.memory_space<vmem>>, vector<16xf32>,
          %ge3A = vector.broadcast %squeeze3A : i32 to vector<16xi32>
          %ge3A_88 = arith.cmpi sge, %add3A_83, %ge3A : vector<16xi32>
          %lt3A_89 = vector.broadcast %squeeze3A_5 : i32 to vector<16xi32>
          %lt3A_90 = arith.cmpi slt, %add3A_83, %lt3A_89 : vector<16xi32>
          %and3A_91 = arith.andi %ge3A_88, %lt3A_90 : vector<16xi1>
          %unique3A, %unique3A_92 = tpu.scan_count mask(%and3A_91 : vector<16xi1>) value(%get3A_85 : vector<16xi32>) : vector<16xi1>, vector<16xi32>
          %and3A_93 = arith.andi %and3A_91, %unique3A : vector<16xi1>
          tpu.vector_store_idx %arg9[%get3A_85], %get3A_87 masked %and3A_93 : memref<4096xf32, #tpu.memory_space<vmem>>[vector<16xi32>], vector<16xf32>, vector<16xi1>
        }
        %scan3A_77 = arith.constant 128 : i32
      }
      %while3A_67 = arith.constant 1 : i32
      scf.for %while3A_68 = %while3A_65 to %while3A_61 step %while3A_67  : i32 {
        %mul3A_69 = arith.constant 2048 : i32
        %mul3A_70 = arith.muli %while3A_68, %mul3A_69 : i32
        %add3A_71 = arith.addi %mul3A_23, %mul3A_70 : i32
        "tpu.region"() ({
          %run_scoped3A = tpu.sem_alloc : memref<!tpu.dma_semaphore, #tpu.memory_space<semaphore_mem>>
          %dma_start3A = tpu.memref_slice %arg3[%add3A_71] : memref<36864xi32, #tpu.memory_space<hbm>> -> memref<2064xi32, #tpu.memory_space<hbm>>
          %dma_start3A_78 = tpu.memref_slice %arg3[%add3A_71] : memref<36864xi32, #tpu.memory_space<hbm>> -> memref<2064xi32, #tpu.memory_space<hbm>>
          tpu.enqueue_dma source(%dma_start3A_78 : memref<2064xi32, #tpu.memory_space<hbm>>) target(%arg7 : memref<2064xi32, #tpu.memory_space<vmem>>) target_semaphore(%run_scoped3A : memref<!tpu.dma_semaphore, #tpu.memory_space<semaphore_mem>>)
          %dma_wait3A = tpu.memref_slice %arg3[%add3A_71] : memref<36864xi32, #tpu.memory_space<hbm>> -> memref<2064xi32, #tpu.memory_space<hbm>>
          %dma_wait3A_79 = tpu.memref_slice %arg3[%add3A_71] : memref<36864xi32, #tpu.memory_space<hbm>> -> memref<2064xi32, #tpu.memory_space<hbm>>
          tpu.wait_dma2 semaphore(%run_scoped3A : memref<!tpu.dma_semaphore, #tpu.memory_space<semaphore_mem>>) src(%dma_wait3A_79 : memref<2064xi32, #tpu.memory_space<hbm>>) dst(%arg7 : memref<2064xi32, #tpu.memory_space<vmem>>)
          tpu.yield
        }) : () -> ()
        "tpu.region"() ({
          %run_scoped3A = tpu.sem_alloc : memref<!tpu.dma_semaphore, #tpu.memory_space<semaphore_mem>>
          %dma_start3A = tpu.memref_slice %arg2[%add3A_71] : memref<36864xf32, #tpu.memory_space<hbm>> -> memref<2048xf32, #tpu.memory_space<hbm>>
          %dma_start3A_78 = tpu.memref_slice %arg2[%add3A_71] : memref<36864xf32, #tpu.memory_space<hbm>> -> memref<2048xf32, #tpu.memory_space<hbm>>
          tpu.enqueue_dma source(%dma_start3A_78 : memref<2048xf32, #tpu.memory_space<hbm>>) target(%arg8 : memref<2048xf32, #tpu.memory_space<vmem>>) target_semaphore(%run_scoped3A : memref<!tpu.dma_semaphore, #tpu.memory_space<semaphore_mem>>)
          %dma_wait3A = tpu.memref_slice %arg2[%add3A_71] : memref<36864xf32, #tpu.memory_space<hbm>> -> memref<2048xf32, #tpu.memory_space<hbm>>
          %dma_wait3A_79 = tpu.memref_slice %arg2[%add3A_71] : memref<36864xf32, #tpu.memory_space<hbm>> -> memref<2048xf32, #tpu.memory_space<hbm>>
          tpu.wait_dma2 semaphore(%run_scoped3A : memref<!tpu.dma_semaphore, #tpu.memory_space<semaphore_mem>>) src(%dma_wait3A_79 : memref<2048xf32, #tpu.memory_space<hbm>>) dst(%arg8 : memref<2048xf32, #tpu.memory_space<vmem>>)
          tpu.yield
        }) : () -> ()
        %scan3A_72 = arith.constant 0 : i32
        %scan3A_73 = arith.constant 0 : i32
        %scan3A_74 = arith.constant 128 : i32
        %scan3A_75 = arith.addi %scan3A_73, %scan3A_74 : i32
        %scan3A_76 = arith.constant 1 : i32
        scf.for %scan3A_78 = %scan3A_73 to %scan3A_75 step %scan3A_76  : i32 {
          %mul3A_79 = arith.constant 16 : i32
          %mul3A_80 = arith.muli %scan3A_78, %mul3A_79 : i32
          %add3A_81 = arith.addi %add3A_71, %mul3A_80 : i32
          %add3A_82 = vector.broadcast %add3A_81 : i32 to vector<16xi32>
          %add3A_83 = arith.addi %add3A_82, %iota3A : vector<16xi32>
          %get3A_84 = arith.index_cast %mul3A_80 : i32 to index
          %get3A_85 = tpu.vector_load %arg7[%get3A_84] {strides = array<i32>} : memref<2064xi32, #tpu.memory_space<vmem>>, vector<16xi32>,
          %get3A_86 = arith.index_cast %mul3A_80 : i32 to index
          %get3A_87 = tpu.vector_load %arg8[%get3A_86] {strides = array<i32>} : memref<2048xf32, #tpu.memory_space<vmem>>, vector<16xf32>,
          %ge3A = vector.broadcast %squeeze3A : i32 to vector<16xi32>
          %ge3A_88 = arith.cmpi sge, %add3A_83, %ge3A : vector<16xi32>
          %lt3A_89 = vector.broadcast %squeeze3A_5 : i32 to vector<16xi32>
          %lt3A_90 = arith.cmpi slt, %add3A_83, %lt3A_89 : vector<16xi32>
          %and3A_91 = arith.andi %ge3A_88, %lt3A_90 : vector<16xi1>
          %unique3A, %unique3A_92 = tpu.scan_count mask(%and3A_91 : vector<16xi1>) value(%get3A_85 : vector<16xi32>) : vector<16xi1>, vector<16xi32>
          %and3A_93 = arith.andi %and3A_91, %unique3A : vector<16xi1>
          tpu.vector_store_idx %arg9[%get3A_85], %get3A_87 masked %and3A_93 : memref<4096xf32, #tpu.memory_space<vmem>>[vector<16xi32>], vector<16xf32>, vector<16xi1>
        }
        %scan3A_77 = arith.constant 128 : i32
      }
      "tpu.region"() ({
        %run_scoped3A = tpu.sem_alloc : memref<!tpu.dma_semaphore, #tpu.memory_space<semaphore_mem>>
        %dma_start3A = arith.constant 0 : i32
        %dma_start3A_68 = tpu.memref_slice %arg5[%add3A, %dma_start3A] : memref<16x4096xf32, #tpu.memory_space<hbm>> -> memref<1x4096xf32, #tpu.memory_space<hbm>>
        %dma_start3A_69 = tpu.memref_squeeze %dma_start3A_68 : memref<1x4096xf32, #tpu.memory_space<hbm>> -> memref<4096xf32, #tpu.memory_space<hbm>>
        %dma_start3A_70 = arith.constant 0 : i32
        %dma_start3A_71 = tpu.memref_slice %arg5[%add3A, %dma_start3A_70] : memref<16x4096xf32, #tpu.memory_space<hbm>> -> memref<1x4096xf32, #tpu.memory_space<hbm>>
        %dma_start3A_72 = tpu.memref_squeeze %dma_start3A_71 : memref<1x4096xf32, #tpu.memory_space<hbm>> -> memref<4096xf32, #tpu.memory_space<hbm>>
        tpu.enqueue_dma source(%arg9 : memref<4096xf32, #tpu.memory_space<vmem>>) target(%dma_start3A_72 : memref<4096xf32, #tpu.memory_space<hbm>>) target_semaphore(%run_scoped3A : memref<!tpu.dma_semaphore, #tpu.memory_space<semaphore_mem>>)
        %dma_wait3A = arith.constant 0 : i32
        %dma_wait3A_73 = tpu.memref_slice %arg5[%add3A, %dma_wait3A] : memref<16x4096xf32, #tpu.memory_space<hbm>> -> memref<1x4096xf32, #tpu.memory_space<hbm>>
        %dma_wait3A_74 = tpu.memref_squeeze %dma_wait3A_73 : memref<1x4096xf32, #tpu.memory_space<hbm>> -> memref<4096xf32, #tpu.memory_space<hbm>>
        %dma_wait3A_75 = arith.constant 0 : i32
        %dma_wait3A_76 = tpu.memref_slice %arg5[%add3A, %dma_wait3A_75] : memref<16x4096xf32, #tpu.memory_space<hbm>> -> memref<1x4096xf32, #tpu.memory_space<hbm>>
        %dma_wait3A_77 = tpu.memref_squeeze %dma_wait3A_76 : memref<1x4096xf32, #tpu.memory_space<hbm>> -> memref<4096xf32, #tpu.memory_space<hbm>>
        tpu.wait_dma2 semaphore(%run_scoped3A : memref<!tpu.dma_semaphore, #tpu.memory_space<semaphore_mem>>) src(%arg9 : memref<4096xf32, #tpu.memory_space<vmem>>) dst(%dma_wait3A_77 : memref<4096xf32, #tpu.memory_space<hbm>>)
        tpu.yield
      }) : () -> ()
    } else {
    }
    return
  }
}

module attributes {stable_mosaic.version = 14 : i64} {
  func.func @_tc_offs_body(%arg0: i32, %arg1: memref<8x1x4096xi32, #tpu.memory_space<vmem>>, %arg2: memref<32x16xi32, #tpu.memory_space<vmem>>) attributes {dimension_semantics = [#tpu.dimension_semantics<arbitrary>], iteration_bounds = array<i64: 1>, scalar_prefetch = 0 : i64, scratch_operands = 0 : i64, tpu.core_type = #tpu.core_type<tc>, window_params = [{pipeline_mode = #tpu.pipeline_mode<synchronous>, transform_indices = @transform_0, window_bounds = array<i64: 8, 1, 4096>}, {pipeline_mode = #tpu.pipeline_mode<synchronous>, transform_indices = @transform_1, window_bounds = array<i64: 32, 16>}]} {
    %broadcast_in_dim3A = arith.constant 0.000000e+00 : f32
    %broadcast_in_dim3A_0 = vector.broadcast %broadcast_in_dim3A : f32 to vector<16x1xf32>
    %get3A = arith.constant 0 : index
    %get3A_1 = arith.constant 0 : index
    %get3A_2 = arith.constant 0 : index
    %get3A_3 = vector.load %arg1[%get3A, %get3A_1, %get3A_2] : memref<8x1x4096xi32, #tpu.memory_space<vmem>>, vector<1x1x4096xi32>
    %get3A_4 = vector.shape_cast %get3A_3 : vector<1x1x4096xi32> to vector<1x4096xi32>
    %iota3A = tpu.iota {dimensions = array<i32: 0>} : vector<16x4096xi32>
    %eq3A = vector.broadcast %get3A_4 : vector<1x4096xi32> to vector<16x4096xi32>
    %eq3A_5 = arith.cmpi eq, %iota3A, %eq3A : vector<16x4096xi32>
    %convert_element_type3A = arith.extui %eq3A_5 : vector<16x4096xi1> to vector<16x4096xi32>
    %convert_element_type3A_6 = arith.sitofp %convert_element_type3A : vector<16x4096xi32> to vector<16x4096xf32>
    %reduce_sum3A = arith.constant dense<0.000000e+00> : vector<16xf32>
    %reduce_sum3A_7 = vector.multi_reduction <add>, %convert_element_type3A_6, %reduce_sum3A [1] : vector<16x4096xf32> to vector<16xf32>
    %broadcast_in_dim3A_8 = vector.shape_cast %reduce_sum3A_7 : vector<16xf32> to vector<16x1xf32>
    %add3A = arith.addf %broadcast_in_dim3A_0, %broadcast_in_dim3A_8 : vector<16x1xf32>
    %get3A_9 = arith.constant 1 : index
    %get3A_10 = arith.constant 0 : index
    %get3A_11 = arith.constant 0 : index
    %get3A_12 = vector.load %arg1[%get3A_9, %get3A_10, %get3A_11] : memref<8x1x4096xi32, #tpu.memory_space<vmem>>, vector<1x1x4096xi32>
    %get3A_13 = vector.shape_cast %get3A_12 : vector<1x1x4096xi32> to vector<1x4096xi32>
    %iota3A_14 = tpu.iota {dimensions = array<i32: 0>} : vector<16x4096xi32>
    %eq3A_15 = vector.broadcast %get3A_13 : vector<1x4096xi32> to vector<16x4096xi32>
    %eq3A_16 = arith.cmpi eq, %iota3A_14, %eq3A_15 : vector<16x4096xi32>
    %convert_element_type3A_17 = arith.extui %eq3A_16 : vector<16x4096xi1> to vector<16x4096xi32>
    %convert_element_type3A_18 = arith.sitofp %convert_element_type3A_17 : vector<16x4096xi32> to vector<16x4096xf32>
    %reduce_sum3A_19 = arith.constant dense<0.000000e+00> : vector<16xf32>
    %reduce_sum3A_20 = vector.multi_reduction <add>, %convert_element_type3A_18, %reduce_sum3A_19 [1] : vector<16x4096xf32> to vector<16xf32>
    %broadcast_in_dim3A_21 = vector.shape_cast %reduce_sum3A_20 : vector<16xf32> to vector<16x1xf32>
    %add3A_22 = arith.addf %add3A, %broadcast_in_dim3A_21 : vector<16x1xf32>
    %get3A_23 = arith.constant 2 : index
    %get3A_24 = arith.constant 0 : index
    %get3A_25 = arith.constant 0 : index
    %get3A_26 = vector.load %arg1[%get3A_23, %get3A_24, %get3A_25] : memref<8x1x4096xi32, #tpu.memory_space<vmem>>, vector<1x1x4096xi32>
    %get3A_27 = vector.shape_cast %get3A_26 : vector<1x1x4096xi32> to vector<1x4096xi32>
    %iota3A_28 = tpu.iota {dimensions = array<i32: 0>} : vector<16x4096xi32>
    %eq3A_29 = vector.broadcast %get3A_27 : vector<1x4096xi32> to vector<16x4096xi32>
    %eq3A_30 = arith.cmpi eq, %iota3A_28, %eq3A_29 : vector<16x4096xi32>
    %convert_element_type3A_31 = arith.extui %eq3A_30 : vector<16x4096xi1> to vector<16x4096xi32>
    %convert_element_type3A_32 = arith.sitofp %convert_element_type3A_31 : vector<16x4096xi32> to vector<16x4096xf32>
    %reduce_sum3A_33 = arith.constant dense<0.000000e+00> : vector<16xf32>
    %reduce_sum3A_34 = vector.multi_reduction <add>, %convert_element_type3A_32, %reduce_sum3A_33 [1] : vector<16x4096xf32> to vector<16xf32>
    %broadcast_in_dim3A_35 = vector.shape_cast %reduce_sum3A_34 : vector<16xf32> to vector<16x1xf32>
    %add3A_36 = arith.addf %add3A_22, %broadcast_in_dim3A_35 : vector<16x1xf32>
    %get3A_37 = arith.constant 3 : index
    %get3A_38 = arith.constant 0 : index
    %get3A_39 = arith.constant 0 : index
    %get3A_40 = vector.load %arg1[%get3A_37, %get3A_38, %get3A_39] : memref<8x1x4096xi32, #tpu.memory_space<vmem>>, vector<1x1x4096xi32>
    %get3A_41 = vector.shape_cast %get3A_40 : vector<1x1x4096xi32> to vector<1x4096xi32>
    %iota3A_42 = tpu.iota {dimensions = array<i32: 0>} : vector<16x4096xi32>
    %eq3A_43 = vector.broadcast %get3A_41 : vector<1x4096xi32> to vector<16x4096xi32>
    %eq3A_44 = arith.cmpi eq, %iota3A_42, %eq3A_43 : vector<16x4096xi32>
    %convert_element_type3A_45 = arith.extui %eq3A_44 : vector<16x4096xi1> to vector<16x4096xi32>
    %convert_element_type3A_46 = arith.sitofp %convert_element_type3A_45 : vector<16x4096xi32> to vector<16x4096xf32>
    %reduce_sum3A_47 = arith.constant dense<0.000000e+00> : vector<16xf32>
    %reduce_sum3A_48 = vector.multi_reduction <add>, %convert_element_type3A_46, %reduce_sum3A_47 [1] : vector<16x4096xf32> to vector<16xf32>
    %broadcast_in_dim3A_49 = vector.shape_cast %reduce_sum3A_48 : vector<16xf32> to vector<16x1xf32>
    %add3A_50 = arith.addf %add3A_36, %broadcast_in_dim3A_49 : vector<16x1xf32>
    %get3A_51 = arith.constant 4 : index
    %get3A_52 = arith.constant 0 : index
    %get3A_53 = arith.constant 0 : index
    %get3A_54 = vector.load %arg1[%get3A_51, %get3A_52, %get3A_53] : memref<8x1x4096xi32, #tpu.memory_space<vmem>>, vector<1x1x4096xi32>
    %get3A_55 = vector.shape_cast %get3A_54 : vector<1x1x4096xi32> to vector<1x4096xi32>
    %iota3A_56 = tpu.iota {dimensions = array<i32: 0>} : vector<16x4096xi32>
    %eq3A_57 = vector.broadcast %get3A_55 : vector<1x4096xi32> to vector<16x4096xi32>
    %eq3A_58 = arith.cmpi eq, %iota3A_56, %eq3A_57 : vector<16x4096xi32>
    %convert_element_type3A_59 = arith.extui %eq3A_58 : vector<16x4096xi1> to vector<16x4096xi32>
    %convert_element_type3A_60 = arith.sitofp %convert_element_type3A_59 : vector<16x4096xi32> to vector<16x4096xf32>
    %reduce_sum3A_61 = arith.constant dense<0.000000e+00> : vector<16xf32>
    %reduce_sum3A_62 = vector.multi_reduction <add>, %convert_element_type3A_60, %reduce_sum3A_61 [1] : vector<16x4096xf32> to vector<16xf32>
    %broadcast_in_dim3A_63 = vector.shape_cast %reduce_sum3A_62 : vector<16xf32> to vector<16x1xf32>
    %add3A_64 = arith.addf %add3A_50, %broadcast_in_dim3A_63 : vector<16x1xf32>
    %get3A_65 = arith.constant 5 : index
    %get3A_66 = arith.constant 0 : index
    %get3A_67 = arith.constant 0 : index
    %get3A_68 = vector.load %arg1[%get3A_65, %get3A_66, %get3A_67] : memref<8x1x4096xi32, #tpu.memory_space<vmem>>, vector<1x1x4096xi32>
    %get3A_69 = vector.shape_cast %get3A_68 : vector<1x1x4096xi32> to vector<1x4096xi32>
    %iota3A_70 = tpu.iota {dimensions = array<i32: 0>} : vector<16x4096xi32>
    %eq3A_71 = vector.broadcast %get3A_69 : vector<1x4096xi32> to vector<16x4096xi32>
    %eq3A_72 = arith.cmpi eq, %iota3A_70, %eq3A_71 : vector<16x4096xi32>
    %convert_element_type3A_73 = arith.extui %eq3A_72 : vector<16x4096xi1> to vector<16x4096xi32>
    %convert_element_type3A_74 = arith.sitofp %convert_element_type3A_73 : vector<16x4096xi32> to vector<16x4096xf32>
    %reduce_sum3A_75 = arith.constant dense<0.000000e+00> : vector<16xf32>
    %reduce_sum3A_76 = vector.multi_reduction <add>, %convert_element_type3A_74, %reduce_sum3A_75 [1] : vector<16x4096xf32> to vector<16xf32>
    %broadcast_in_dim3A_77 = vector.shape_cast %reduce_sum3A_76 : vector<16xf32> to vector<16x1xf32>
    %add3A_78 = arith.addf %add3A_64, %broadcast_in_dim3A_77 : vector<16x1xf32>
    %get3A_79 = arith.constant 6 : index
    %get3A_80 = arith.constant 0 : index
    %get3A_81 = arith.constant 0 : index
    %get3A_82 = vector.load %arg1[%get3A_79, %get3A_80, %get3A_81] : memref<8x1x4096xi32, #tpu.memory_space<vmem>>, vector<1x1x4096xi32>
    %get3A_83 = vector.shape_cast %get3A_82 : vector<1x1x4096xi32> to vector<1x4096xi32>
    %iota3A_84 = tpu.iota {dimensions = array<i32: 0>} : vector<16x4096xi32>
    %eq3A_85 = vector.broadcast %get3A_83 : vector<1x4096xi32> to vector<16x4096xi32>
    %eq3A_86 = arith.cmpi eq, %iota3A_84, %eq3A_85 : vector<16x4096xi32>
    %convert_element_type3A_87 = arith.extui %eq3A_86 : vector<16x4096xi1> to vector<16x4096xi32>
    %convert_element_type3A_88 = arith.sitofp %convert_element_type3A_87 : vector<16x4096xi32> to vector<16x4096xf32>
    %reduce_sum3A_89 = arith.constant dense<0.000000e+00> : vector<16xf32>
    %reduce_sum3A_90 = vector.multi_reduction <add>, %convert_element_type3A_88, %reduce_sum3A_89 [1] : vector<16x4096xf32> to vector<16xf32>
    %broadcast_in_dim3A_91 = vector.shape_cast %reduce_sum3A_90 : vector<16xf32> to vector<16x1xf32>
    %add3A_92 = arith.addf %add3A_78, %broadcast_in_dim3A_91 : vector<16x1xf32>
    %get3A_93 = arith.constant 7 : index
    %get3A_94 = arith.constant 0 : index
    %get3A_95 = arith.constant 0 : index
    %get3A_96 = vector.load %arg1[%get3A_93, %get3A_94, %get3A_95] : memref<8x1x4096xi32, #tpu.memory_space<vmem>>, vector<1x1x4096xi32>
    %get3A_97 = vector.shape_cast %get3A_96 : vector<1x1x4096xi32> to vector<1x4096xi32>
    %iota3A_98 = tpu.iota {dimensions = array<i32: 0>} : vector<16x4096xi32>
    %eq3A_99 = vector.broadcast %get3A_97 : vector<1x4096xi32> to vector<16x4096xi32>
    %eq3A_100 = arith.cmpi eq, %iota3A_98, %eq3A_99 : vector<16x4096xi32>
    %convert_element_type3A_101 = arith.extui %eq3A_100 : vector<16x4096xi1> to vector<16x4096xi32>
    %convert_element_type3A_102 = arith.sitofp %convert_element_type3A_101 : vector<16x4096xi32> to vector<16x4096xf32>
    %reduce_sum3A_103 = arith.constant dense<0.000000e+00> : vector<16xf32>
    %reduce_sum3A_104 = vector.multi_reduction <add>, %convert_element_type3A_102, %reduce_sum3A_103 [1] : vector<16x4096xf32> to vector<16xf32>
    %broadcast_in_dim3A_105 = vector.shape_cast %reduce_sum3A_104 : vector<16xf32> to vector<16x1xf32>
    %add3A_106 = arith.addf %add3A_92, %broadcast_in_dim3A_105 : vector<16x1xf32>
    %iota3A_107 = tpu.iota {dimensions = array<i32: 0>} : vector<16x16xi32>
    %iota3A_108 = tpu.iota {dimensions = array<i32: 1>} : vector<16x16xi32>
    %gt3A = arith.cmpi sgt, %iota3A_107, %iota3A_108 : vector<16x16xi32>
    %convert_element_type3A_109 = arith.extui %gt3A : vector<16x16xi1> to vector<16x16xi32>
    %convert_element_type3A_110 = arith.sitofp %convert_element_type3A_109 : vector<16x16xi32> to vector<16x16xf32>
    %dot_general3A = arith.constant dense<0.000000e+00> : vector<16x1xf32>
    %dot_general3A_111 = tpu.matmul %convert_element_type3A_110, %add3A_106, %dot_general3A {dimension_numbers = #tpu.dot_dimension_numbers<[1], [0], [0], [1], [0, 0, 1, 1], [], []>, precision = #tpu.contract_precision<fp32>, transpose_lhs_hint = false} : vector<16x16xf32>, vector<16x1xf32>, vector<16x1xf32> -> vector<16x1xf32>
    %add3A_112 = arith.addf %dot_general3A_111, %add3A_106 : vector<16x1xf32>
    %broadcast_in_dim3A_113 = arith.constant 0.000000e+00 : f32
    %broadcast_in_dim3A_114 = vector.broadcast %broadcast_in_dim3A_113 : f32 to vector<16x1xf32>
    %concatenate3A = tpu.concatenate %dot_general3A_111, %broadcast_in_dim3A_114 in 0 : vector<16x1xf32>, vector<16x1xf32> -> vector<32x1xf32>
    %concatenate3A_115 = tpu.concatenate %add3A_112, %broadcast_in_dim3A_114 in 0 : vector<16x1xf32>, vector<16x1xf32> -> vector<32x1xf32>
    %iota3A_116 = tpu.iota {dimensions = array<i32: 1>} : vector<32x16xi32>
    %eq3A_117 = arith.constant 0 : i32
    %eq3A_118 = vector.broadcast %eq3A_117 : i32 to vector<32x16xi32>
    %eq3A_119 = arith.cmpi eq, %iota3A_116, %eq3A_118 : vector<32x16xi32>
    %eq3A_120 = arith.constant 1 : i32
    %eq3A_121 = vector.broadcast %eq3A_120 : i32 to vector<32x16xi32>
    %eq3A_122 = arith.cmpi eq, %iota3A_116, %eq3A_121 : vector<32x16xi32>
    %jit3A = arith.constant 0.000000e+00 : f32
    %broadcast_in_dim3A_123 = vector.shape_cast %concatenate3A_115 : vector<32x1xf32> to vector<32x1xf32>
    %broadcast_in_dim3A_124 = vector.broadcast %broadcast_in_dim3A_123 : vector<32x1xf32> to vector<32x16xf32>
    %broadcast_in_dim3A_125 = vector.broadcast %jit3A : f32 to vector<32x16xf32>
    %select_n3A = arith.select %eq3A_122, %broadcast_in_dim3A_124, %broadcast_in_dim3A_125 : vector<32x16xi1>, vector<32x16xf32>
    %broadcast_in_dim3A_126 = vector.shape_cast %concatenate3A : vector<32x1xf32> to vector<32x1xf32>
    %broadcast_in_dim3A_127 = vector.broadcast %broadcast_in_dim3A_126 : vector<32x1xf32> to vector<32x16xf32>
    %select_n3A_128 = arith.select %eq3A_119, %broadcast_in_dim3A_127, %select_n3A : vector<32x16xi1>, vector<32x16xf32>
    %convert_element_type3A_129 = arith.fptosi %select_n3A_128 : vector<32x16xf32> to vector<32x16xi32>
    %swap3A = arith.constant 0 : index
    %swap3A_130 = arith.constant 0 : index
    %swap3A_131 = vector.load %arg2[%swap3A, %swap3A_130] : memref<32x16xi32, #tpu.memory_space<vmem>>, vector<32x16xi32>
    tpu.vector_store %arg2[%swap3A, %swap3A_130], %convert_element_type3A_129 {strides = array<i32>} : memref<32x16xi32, #tpu.memory_space<vmem>>, vector<32x16xi32>,
    return
  }
  func.func @transform_0(%arg0: i32) -> (i32, i32, i32) {
    %c0_i32 = arith.constant 0 : i32
    %c0_i32_0 = arith.constant 0 : i32
    %c0_i32_1 = arith.constant 0 : i32
    %c0_i32_2 = arith.constant 0 : i32
    return %c0_i32, %c0_i32_0, %c0_i32_1 : i32, i32, i32
  }
  func.func @transform_1(%arg0: i32) -> (i32, i32) {
    %c0_i32 = arith.constant 0 : i32
    %c0_i32_0 = arith.constant 0 : i32
    %c0_i32_1 = arith.constant 0 : i32
    return %c0_i32, %c0_i32_0 : i32, i32
  }
}

module attributes {stable_mosaic.version = 14 : i64} {
  func.func @_tc_mlp_body(%arg0: i32, %arg1: memref<4096x128xf32, #tpu.memory_space<vmem>>, %arg2: memref<1x1x4096xi32, #tpu.memory_space<vmem>>, %arg3: memref<16x128xf32, #tpu.memory_space<vmem>>, %arg4: memref<128x128xf32, #tpu.memory_space<vmem>>, %arg5: memref<1x128xf32, #tpu.memory_space<vmem>>, %arg6: memref<128x128xf32, #tpu.memory_space<vmem>>, %arg7: memref<128x128xf32, #tpu.memory_space<vmem>>, %arg8: memref<1x128xf32, #tpu.memory_space<vmem>>, %arg9: memref<128x1xf32, #tpu.memory_space<vmem>>, %arg10: memref<1x1xf32, #tpu.memory_space<vmem>>, %arg11: memref<1x4096xf32, #tpu.memory_space<vmem>>) attributes {dimension_semantics = [#tpu.dimension_semantics<arbitrary>], iteration_bounds = array<i64: 4>, scalar_prefetch = 0 : i64, scratch_operands = 0 : i64, tpu.core_type = #tpu.core_type<tc>, window_params = [{transform_indices = @transform_0, window_bounds = array<i64: 4096, 128>}, {transform_indices = @transform_1, window_bounds = array<i64: 1, 1, 4096>}, {pipeline_mode = #tpu.pipeline_mode<synchronous>, transform_indices = @transform_2, window_bounds = array<i64: 16, 128>}, {pipeline_mode = #tpu.pipeline_mode<synchronous>, transform_indices = @transform_3, window_bounds = array<i64: 128, 128>}, {pipeline_mode = #tpu.pipeline_mode<synchronous>, transform_indices = @transform_4, window_bounds = array<i64: 1, 128>}, {pipeline_mode = #tpu.pipeline_mode<synchronous>, transform_indices = @transform_5, window_bounds = array<i64: 128, 128>}, {pipeline_mode = #tpu.pipeline_mode<synchronous>, transform_indices = @transform_6, window_bounds = array<i64: 128, 128>}, {pipeline_mode = #tpu.pipeline_mode<synchronous>, transform_indices = @transform_7, window_bounds = array<i64: 1, 128>}, {pipeline_mode = #tpu.pipeline_mode<synchronous>, transform_indices = @transform_8, window_bounds = array<i64: 128, 1>}, {pipeline_mode = #tpu.pipeline_mode<synchronous>, transform_indices = @transform_9, window_bounds = array<i64: 1, 1>}, {transform_indices = @transform_10, window_bounds = array<i64: 1, 4096>}]} {
    %get3A = arith.constant 0 : index
    %get3A_0 = arith.constant 0 : index
    %get3A_1 = vector.load %arg3[%get3A, %get3A_0] : memref<16x128xf32, #tpu.memory_space<vmem>>, vector<16x128xf32>
    %get3A_2 = arith.constant 0 : index
    %get3A_3 = arith.constant 0 : index
    %get3A_4 = vector.load %arg4[%get3A_2, %get3A_3] : memref<128x128xf32, #tpu.memory_space<vmem>>, vector<128x128xf32>
    %dot_general3A = arith.constant dense<0.000000e+00> : vector<16x128xf32>
    %dot_general3A_5 = tpu.matmul %get3A_1, %get3A_4, %dot_general3A {dimension_numbers = #tpu.dot_dimension_numbers<[1], [0], [0], [1], [0, 0, 1, 1], [], []>, transpose_lhs_hint = false} : vector<16x128xf32>, vector<128x128xf32>, vector<16x128xf32> -> vector<16x128xf32>
    %get3A_6 = arith.constant 0 : index
    %get3A_7 = arith.constant 0 : index
    %get3A_8 = vector.load %arg5[%get3A_6, %get3A_7] : memref<1x128xf32, #tpu.memory_space<vmem>>, vector<1x128xf32>
    %add3A = vector.broadcast %get3A_8 : vector<1x128xf32> to vector<16x128xf32>
    %add3A_9 = arith.addf %dot_general3A_5, %add3A : vector<16x128xf32>
    %max3A = arith.constant 0.000000e+00 : f32
    %max3A_10 = vector.broadcast %max3A : f32 to vector<16x128xf32>
    %max3A_11 = arith.maximumf %add3A_9, %max3A_10 : vector<16x128xf32>
    %get3A_12 = arith.constant 0 : index
    %get3A_13 = arith.constant 0 : index
    %get3A_14 = vector.load %arg7[%get3A_12, %get3A_13] : memref<128x128xf32, #tpu.memory_space<vmem>>, vector<128x128xf32>
    %dot_general3A_15 = arith.constant dense<0.000000e+00> : vector<16x128xf32>
    %dot_general3A_16 = tpu.matmul %max3A_11, %get3A_14, %dot_general3A_15 {dimension_numbers = #tpu.dot_dimension_numbers<[1], [0], [0], [1], [0, 0, 1, 1], [], []>, transpose_lhs_hint = false} : vector<16x128xf32>, vector<128x128xf32>, vector<16x128xf32> -> vector<16x128xf32>
    %get3A_17 = arith.constant 0 : index
    %get3A_18 = arith.constant 0 : index
    %get3A_19 = vector.load %arg8[%get3A_17, %get3A_18] : memref<1x128xf32, #tpu.memory_space<vmem>>, vector<1x128xf32>
    %add3A_20 = vector.broadcast %get3A_19 : vector<1x128xf32> to vector<16x128xf32>
    %add3A_21 = arith.addf %dot_general3A_16, %add3A_20 : vector<16x128xf32>
    %get3A_22 = arith.constant 0 : index
    %get3A_23 = arith.constant 0 : index
    %get3A_24 = arith.constant 0 : index
    %get3A_25 = vector.load %arg2[%get3A_22, %get3A_23, %get3A_24] : memref<1x1x4096xi32, #tpu.memory_space<vmem>>, vector<1x1x4096xi32>
    %reshape3A = vector.shape_cast %get3A_25 : vector<1x1x4096xi32> to vector<1x4096xi32>
    %iota3A = tpu.iota {dimensions = array<i32: 0>} : vector<16x4096xi32>
    %eq3A = vector.broadcast %reshape3A : vector<1x4096xi32> to vector<16x4096xi32>
    %eq3A_26 = arith.cmpi eq, %iota3A, %eq3A : vector<16x4096xi32>
    %convert_element_type3A = arith.extui %eq3A_26 : vector<16x4096xi1> to vector<16x4096xi32>
    %convert_element_type3A_27 = arith.sitofp %convert_element_type3A : vector<16x4096xi32> to vector<16x4096xf32>
    %dot_general3A_28 = arith.constant dense<0.000000e+00> : vector<4096x128xf32>
    %dot_general3A_29 = tpu.matmul %convert_element_type3A_27, %add3A_21, %dot_general3A_28 {dimension_numbers = #tpu.dot_dimension_numbers<[0], [0], [1], [1], [0, 1, 1, 1], [], []>, transpose_lhs_hint = false} : vector<16x4096xf32>, vector<16x128xf32>, vector<4096x128xf32> -> vector<4096x128xf32>
    %get3A_30 = arith.constant 0 : index
    %get3A_31 = arith.constant 0 : index
    %get3A_32 = vector.load %arg1[%get3A_30, %get3A_31] : memref<4096x128xf32, #tpu.memory_space<vmem>>, vector<4096x128xf32>
    %get3A_33 = arith.constant 0 : index
    %get3A_34 = arith.constant 0 : index
    %get3A_35 = vector.load %arg6[%get3A_33, %get3A_34] : memref<128x128xf32, #tpu.memory_space<vmem>>, vector<128x128xf32>
    %dot_general3A_36 = arith.constant dense<0.000000e+00> : vector<4096x128xf32>
    %dot_general3A_37 = tpu.matmul %get3A_32, %get3A_35, %dot_general3A_36 {dimension_numbers = #tpu.dot_dimension_numbers<[1], [0], [0], [1], [0, 0, 1, 1], [], []>, transpose_lhs_hint = false} : vector<4096x128xf32>, vector<128x128xf32>, vector<4096x128xf32> -> vector<4096x128xf32>
    %add3A_38 = arith.addf %dot_general3A_37, %dot_general3A_29 : vector<4096x128xf32>
    %max3A_39 = arith.constant 0.000000e+00 : f32
    %max3A_40 = vector.broadcast %max3A_39 : f32 to vector<4096x128xf32>
    %max3A_41 = arith.maximumf %add3A_38, %max3A_40 : vector<4096x128xf32>
    %get3A_42 = arith.constant 0 : index
    %get3A_43 = arith.constant 0 : index
    %get3A_44 = vector.load %arg9[%get3A_42, %get3A_43] : memref<128x1xf32, #tpu.memory_space<vmem>>, vector<128x1xf32>
    %dot_general3A_45 = arith.constant dense<0.000000e+00> : vector<1x4096xf32>
    %dot_general3A_46 = tpu.matmul %get3A_44, %max3A_41, %dot_general3A_45 {dimension_numbers = #tpu.dot_dimension_numbers<[0], [1], [1], [0], [0, 1, 1, 0], [], []>, transpose_lhs_hint = false} : vector<128x1xf32>, vector<4096x128xf32>, vector<1x4096xf32> -> vector<1x4096xf32>
    %get3A_47 = arith.constant 0 : index
    %get3A_48 = arith.constant 0 : index
    %get3A_49 = vector.load %arg10[%get3A_47, %get3A_48] : memref<1x1xf32, #tpu.memory_space<vmem>>, vector<1x1xf32>
    %add3A_50 = vector.broadcast %get3A_49 : vector<1x1xf32> to vector<1x4096xf32>
    %add3A_51 = arith.addf %dot_general3A_46, %add3A_50 : vector<1x4096xf32>
    %tanh3A = math.tanh %add3A_51 : vector<1x4096xf32>
    %swap3A = arith.constant 0 : index
    %swap3A_52 = arith.constant 0 : index
    %swap3A_53 = vector.load %arg11[%swap3A, %swap3A_52] : memref<1x4096xf32, #tpu.memory_space<vmem>>, vector<1x4096xf32>
    tpu.vector_store %arg11[%swap3A, %swap3A_52], %tanh3A {strides = array<i32>} : memref<1x4096xf32, #tpu.memory_space<vmem>>, vector<1x4096xf32>,
    return
  }
  func.func @transform_0(%arg0: i32) -> (i32, i32) {
    %c0_i32 = arith.constant 0 : i32
    %c0_i32_0 = arith.constant 0 : i32
    return %arg0, %c0_i32 : i32, i32
  }
  func.func @transform_1(%arg0: i32) -> (i32, i32, i32) {
    %c0_i32 = arith.constant 0 : i32
    %c0_i32_0 = arith.constant 0 : i32
    %c0_i32_1 = arith.constant 0 : i32
    return %arg0, %c0_i32, %c0_i32_0 : i32, i32, i32
  }
  func.func @transform_2(%arg0: i32) -> (i32, i32) {
    %c0_i32 = arith.constant 0 : i32
    %c0_i32_0 = arith.constant 0 : i32
    %c0_i32_1 = arith.constant 0 : i32
    return %c0_i32, %c0_i32_0 : i32, i32
  }
  func.func @transform_3(%arg0: i32) -> (i32, i32) {
    %c0_i32 = arith.constant 0 : i32
    %c0_i32_0 = arith.constant 0 : i32
    %c0_i32_1 = arith.constant 0 : i32
    return %c0_i32, %c0_i32_0 : i32, i32
  }
  func.func @transform_4(%arg0: i32) -> (i32, i32) {
    %c0_i32 = arith.constant 0 : i32
    %c0_i32_0 = arith.constant 0 : i32
    %c0_i32_1 = arith.constant 0 : i32
    return %c0_i32, %c0_i32_0 : i32, i32
  }
  func.func @transform_5(%arg0: i32) -> (i32, i32) {
    %c0_i32 = arith.constant 0 : i32
    %c0_i32_0 = arith.constant 0 : i32
    %c0_i32_1 = arith.constant 0 : i32
    return %c0_i32, %c0_i32_0 : i32, i32
  }
  func.func @transform_6(%arg0: i32) -> (i32, i32) {
    %c0_i32 = arith.constant 0 : i32
    %c0_i32_0 = arith.constant 0 : i32
    %c0_i32_1 = arith.constant 0 : i32
    return %c0_i32, %c0_i32_0 : i32, i32
  }
  func.func @transform_7(%arg0: i32) -> (i32, i32) {
    %c0_i32 = arith.constant 0 : i32
    %c0_i32_0 = arith.constant 0 : i32
    %c0_i32_1 = arith.constant 0 : i32
    return %c0_i32, %c0_i32_0 : i32, i32
  }
  func.func @transform_8(%arg0: i32) -> (i32, i32) {
    %c0_i32 = arith.constant 0 : i32
    %c0_i32_0 = arith.constant 0 : i32
    %c0_i32_1 = arith.constant 0 : i32
    return %c0_i32, %c0_i32_0 : i32, i32
  }
  func.func @transform_9(%arg0: i32) -> (i32, i32) {
    %c0_i32 = arith.constant 0 : i32
    %c0_i32_0 = arith.constant 0 : i32
    %c0_i32_1 = arith.constant 0 : i32
    return %c0_i32, %c0_i32_0 : i32, i32
  }
  func.func @transform_10(%arg0: i32) -> (i32, i32) {
    %c0_i32 = arith.constant 0 : i32
    %c0_i32_0 = arith.constant 0 : i32
    return %c0_i32, %arg0 : i32, i32
  }
}

</mosaic_0001>

<sc_bundles>
// kernel: kernel.11.cloned.1.call-start
scs
__scs_entry_jumppad:
0x0: {  	(pc) =	sbr.rel $0x88, $3  }
0x1: {  	(tag) =	ssettag $0x0;
	lr =	simm.s32 $0x1  }
0x2: {  	[smem:$0x3F96] =	sst lr;
	_ =	strace $0xD0000000  }
0x3: {  	_ = 	snop  }
0x4: {  	_ = 	snop  }
0x5: {  	_ = 	snop  }
0x6: {  	_ = 	snop  }
0x7: {  	_ = 	snop  }
__scs_overlays_trampoline_lowered:
0x8: {  	[smem:$0x3FA5] =	sst s0  }
0x9: {  	[smem:$0x3FA6] =	sst s1  }
0xa: {  	[smem:$0x3FA7] =	sst s2  }
0xb: {  	[smem:$0x3FA8] =	sst s3  }
0xc: {  	[smem:$0x3FA9] =	sst s4  }
0xd: {  	[smem:$0x3FAA] =	sst s5  }
0xe: {  	[smem:$0x3FAB] =	sst s6  }
0xf: {  	[smem:$0x3FAC] =	sst s7  }
0x10: {  	[smem:$0x3FAD] =	sst s8  }
0x11: {  	[smem:$0x3FAE] =	sst s9;
	s0 =	simm.s32 @!p0 $0x0  }
0x12: {  	s1 =	sld [smem:$0x3F94];
	s0 =	simm.s32 @p0 $0x1  }
0x13: {  	[smem:$0x3FAF] =	sst s0;
	s0 =	simm.s32 @!p1 $0x0  }
0x14: {  	s2 =	sld [smem:$0x3F93];
	s0 =	simm.s32 @p1 $0x1  }
0x15: {  	[smem:$0x3FB0] =	sst s0;
	s0 =	simm.s32 @!p2 $0x0  }
0x16: {  	s3 =	sld [smem:$0x3FDB];
	s0 =	simm.s32 @p2 $0x1  }
0x17: {  	s4 =	simm.s32 $0x1BF5;
	[smem:$0x3FB2] =	sst s0  }
0x18: {  	s0 =	sld [smem:$0x3F95];
	_ =	swait.ge [sflag:s4], $0x0  }
0x19: {  	s7 =	sld [smem:$0x3F96]  }
0x1a: {  	s8 =	sadd.s32 $0xFFFFE003, lr  }
0x1b: {  	s9 =	sadd.s32 $0xFFFFFEF7, lr;
	s5 =	simm.s32 $0xFFFFFFFF;
	p2 =	slt.u32 s8, $0xFFFFF086  }
0x1c: {  	p1 =	slt.u32 s9, $0xF7A;
	s5 =	simm.s32 @!p2 $0x0  }
0x1d: {  	s5 =	simm.s32 @p1 $0x1;
	p0 =	seq.s32 s7, s2  }
0x1e: {  	s7 =	smul.u32 @!p0 $0xF7A, s2;
	p2 =	seq.s32 @!p0 s5, $0x0  }
0x1f: {  	s9 =	smul.u32 $0xF7A, s1;
	s8 =	simm.s32 @!p0 $0x1BF5;
	p2 =	por !p2, p0  }
0x20: {  	[sflag:s8] =	ssyncset.s32 @!p0 $0xFFFFF086;
	s6 =	sadd.s32 @!p0 s3, s7;
	s7 =	simm.s32 @!p0 $0x108  }
0x21: {  	s3 =	sadd.s32 s3, s9;
	s6 =	sadd.s32 @!p0 $0x88, s6;
	s7 =	simm.s32 @p2 $0x1082  }
0x22: {  	[simem:s7], [sflag:s8] =	dma.local @!p0 [hbm:s6], $0xF7A  }
0x23: {  	s9 =	sor.u32 $0xD0000000, s2;
	s6 =	simm.s32 $0x108;
	_ =	swait.ge @!p0 [sflag:s8], $0x0  }
0x24: {  	s3 =	sadd.s32 $0x88, s3;
	s6 =	simm.s32 @!p1 $0x1082;
	[sflag:s4] =	ssyncset.s32 $0xFFFFF086  }
0x25: {  	[simem:s6], [sflag:s4] =	dma.local [hbm:s3], $0xF7A  }
0x26: {  	[smem:$0x3F96] =	sst s1;
	(tag) =	ssettag s2;
	_ =	strace s9  }
0x27: {  	s1 =	sld [smem:$0x3FA6]  }
0x28: {  	s2 =	sld [smem:$0x3FA7]  }
0x29: {  	s4 =	sld [smem:$0x3FA9]  }
0x2a: {  	p0 =	seq.s32 s5, $0x0;
	s5 =	sld [smem:$0x3FAA]  }
0x2b: {  	s6 =	sld [smem:$0x3FAB]  }
0x2c: {  	s7 =	sld [smem:$0x3FAC]  }
0x2d: {  	s3 =	simm.s32 $0x108;
	s8 =	sld [smem:$0x3FAD]  }
0x2e: {  	s3 =	simm.s32 @!p0 $0x1082;
	s9 =	sld [smem:$0x3FAE]  }
0x2f: {  	lr =	sadd.s32 s0, s3;
	s0 =	sld [smem:$0x3FA5]  }
0x30: {  	s3 =	sld [smem:$0x3FA8]  }
0x31: {  	[smem:$0x3FB1] =	sst s10  }
0x32: {  	s10 =	sld [smem:$0x3FAF];
	_ =	sdelay $0x3  }
0x33: {  	p0 =	seq.s32 s10, $0x1;
	s10 =	sld [smem:$0x3FB1];
	_ =	sdelay $0x3  }
0x34: {  	[smem:$0x3FB1] =	sst s10  }
0x35: {  	s10 =	sld [smem:$0x3FB0];
	_ =	sdelay $0x3  }
0x36: {  	p1 =	seq.s32 s10, $0x1;
	s10 =	sld [smem:$0x3FB1];
	_ =	sdelay $0x3  }
0x37: {  	[smem:$0x3FB1] =	sst s10  }
0x38: {  	s10 =	sld [smem:$0x3FB2]  }
0x39: {  	_ = 	snop;
	(pc) =	sbr.ind lr, $3  }
0x3a: {  	_ = 	snop  }
0x3b: {  	_ = 	snop  }
0x3c: {  	p2 =	seq.s32 s10, $0x1;
	s10 =	sld [smem:$0x3FB1]  }
0x3d: {  	_ =	shalt  }
0x3e: {  	_ =	shalt  }
0x3f: {  	_ =	shalt  }
0x40: {  	_ =	shalt  }
0x41: {  	_ =	shalt  }
0x42: {  	_ =	shalt  }
0x43: {  	_ =	shalt  }
0x44: {  	_ =	shalt  }
0x45: {  	_ =	shalt  }
0x46: {  	_ =	shalt  }
0x47: {  	_ =	shalt  }
0x48: {  	_ =	shalt  }
0x49: {  	_ =	shalt  }
0x4a: {  	_ =	shalt  }
0x4b: {  	_ =	shalt  }
0x4c: {  	_ =	shalt  }
0x4d: {  	_ =	shalt  }
0x4e: {  	_ =	shalt  }
0x4f: {  	_ =	shalt  }
0x50: {  	_ =	shalt  }
0x51: {  	_ =	shalt  }
0x52: {  	_ =	shalt  }
0x53: {  	_ =	shalt  }
0x54: {  	_ =	shalt  }
0x55: {  	_ =	shalt  }
0x56: {  	_ =	shalt  }
0x57: {  	_ =	shalt  }
0x58: {  	_ =	shalt  }
0x59: {  	_ =	shalt  }
0x5a: {  	_ =	shalt  }
0x5b: {  	_ =	shalt  }
0x5c: {  	_ =	shalt  }
0x5d: {  	_ =	shalt  }
0x5e: {  	_ =	shalt  }
0x5f: {  	_ =	shalt  }
0x60: {  	_ =	shalt  }
0x61: {  	_ =	shalt  }
0x62: {  	_ =	shalt  }
0x63: {  	_ =	shalt  }
0x64: {  	_ =	shalt  }
0x65: {  	_ =	shalt  }
0x66: {  	_ =	shalt  }
0x67: {  	_ =	shalt  }
0x68: {  	_ =	shalt  }
0x69: {  	_ =	shalt  }
0x6a: {  	_ =	shalt  }
0x6b: {  	_ =	shalt  }
0x6c: {  	_ =	shalt  }
0x6d: {  	_ =	shalt  }
0x6e: {  	_ =	shalt  }
0x6f: {  	_ =	shalt  }
0x70: {  	_ =	shalt  }
0x71: {  	_ =	shalt  }
0x72: {  	_ =	shalt  }
0x73: {  	_ =	shalt  }
0x74: {  	_ =	shalt  }
0x75: {  	_ =	shalt  }
0x76: {  	_ =	shalt  }
0x77: {  	_ =	shalt  }
0x78: {  	_ =	shalt  }
0x79: {  	_ =	shalt  }
0x7a: {  	_ =	shalt  }
0x7b: {  	_ =	shalt  }
0x7c: {  	_ =	shalt  }
0x7d: {  	_ =	shalt  }
0x7e: {  	_ =	shalt  }
0x7f: {  	_ =	shalt  }
0x80: {  	_ =	shalt  }
0x81: {  	_ =	shalt  }
0x82: {  	_ =	shalt  }
0x83: {  	_ =	shalt  }
0x84: {  	_ =	shalt  }
0x85: {  	_ =	shalt  }
0x86: {  	_ =	shalt  }
0x87: {  	_ =	shalt  }
.Lfunc_end0:
.L_simem_size_0:
called_computation.1_lowered:
.L_overlay_start_0:
0x88: {  	s2 =	sld [smem:$0x3FD9]  }
0x89: {  	s3 =	sld [smem:$0x3FFE];
	_ =	sdelay $0x1  }
0x8a: {  	s1 =	srdreg.scid  }
0x8b: {  	s0 =	sand.u32 $0x1, s1  }
0x8c: {  	s17 =	sshll.u32 s0, $0xA;
	s2 =	sadd.s32 s3, s2  }
0x8d: {  	s2 =	sadd.s32 s2, s17  }
0x8e: {  	[smem:$0x3FBD] =	sst s2  }
0x8f: {  	_ = 	snop  }
0x90: {  	s2 =	sld [smem:$0x3FC8]  }
0x91: {  	s18 =	sld [smem:$0x3FC7];
	(tm) =	ssettm $0x1  }
0x92: {  	s4 =	sld [smem:$0x3FFB];
	_ =	sdelay $0x3  }
0x93: {  	_ =	strace s4  }
0x94: {  	s4 =	sld [smem:$0x3FFC];
	_ =	sdelay $0x3  }
0x95: {  	_ =	strace s4  }
0x96: {  	s4 =	sld [smem:$0x3FFD];
	_ =	sdelay $0x3  }
0x97: {  	_ =	strace s4  }
0x98: {  	_ =	strace $0x8FFFFFFF  }
0x99: {  	s19 =	sld [smem:$0x3FDB];
	_ =	sdelay $0x1  }
0x9a: {  	s5 =	simm.s32 $_scs_section_size  }
0x9b: {  	s6 =	simm.s32 $_size__tile_overlayer_lowered;
	s7 =	simm.s32 $_tile_overlayer_lowered  }
0x9c: {  	s22 =	simm.s32 $0x1BFF;
	s21 =	sshll.u32 s7, $0x1;
	s4 =	sadd.s32 s5, s19  }
0x9d: {  	s8 =	simm.s32 $0x0;
	s20 =	sshll.u32 s6, $0x1;
	s6 =	sadd.s32 s21, s4  }
0x9e: {  	[timem:s8], [sflag:s22] =	dma.local [hbm:s6], s20  }
0x9f: {  	_ =	swait.ge [sflag:s22], s20  }
0xa0: {  	s5 =	ssub.s32 $0x0, s20;
	[sflag:s22] =	ssyncset.done $0x0  }
0xa1: {  	[sflag:s22] =	ssyncadd.s32 s5;
	_ =	sdelay $0x1  }
0xa2: {  	s23 =	simm.s32 $0x1B8B  }
0xa3: {  	_ =	swait.ge [sflag:s23], $0x1  }
0xa4: {  	[sflag:s23] =	ssyncset.done $0x0  }
0xa5: {  	s25 =	simm.s32 $0x1B8E;
	s24 =	sld [smem:$0x3FFE];
	[sflag:s23] =	ssyncadd.s32 $0xFFFFFFFF  }
0xa6: {  	s26 =	simm.s32 $execute0_lowered;
	[smem:$0x3FD2] =	sst s25  }
0xa7: {  	s6 =	sshll.u32 s26, $0x1;
	_ =	strace $0x80000046;
	[dreg:$0x1] =	wrdreg $0xFFFFFFFF  }
0xa8: {  	s28 =	simm.s32 $_size_execute0_lowered;
	s4 =	sadd.s32 s4, s6;
	[dreg:$0x0] =	wrdreg $0x0  }
0xa9: {  	s6 =	sshll.u32 s28, $0x1;
	[dreg:$0x2] =	wrdreg s4  }
0xaa: {  	[dreg:$0x3] =	wrdreg s6  }
0xab: {  	[dreg:$0x4] =	wrdreg $0xC0  }
0xac: {  	_ =	task [dreg:s8], $0x5FFFF  }
0xad: {  	[dreg:$0x1] =	wrdreg $0xFFFFFFFF  }
0xae: {  	[dreg:$0x0] =	wrdreg $0x60  }
0xaf: {  	[dreg:$0x2] =	wrdreg s2  }
0xb0: {  	[dreg:$0x3] =	wrdreg s18  }
0xb1: {  	[dreg:$0x4] =	wrdreg s24  }
0xb2: {  	[dreg:$0x5] =	wrdreg $0xA  }
0xb3: {  	_ =	task.clear_ibuf [dreg:s8], $0x6FFFF;
	_ =	strace $0x90000046  }
0xb4: {  	s29 =	simm.s32 $0xA;
	_ =	strace $0x80000048  }
0xb5: {  	_ =	swait.ge [sflag:s29], $0x1  }
0xb6: {  	[sflag:s29] =	ssyncadd.s32 $0xFFFFFFFF  }
0xb7: {  	_ =	strace $0x90000048  }
0xb8: {  	_ =	sfence  }
0xb9: {  	s30 =	sld [smem:$0x0];
	_ =	sdelay $0x2  }
0xba: {  	s31 =	sshll.u32 s1, $0xD;
	s1 =	sshrl.u32 s1, $0x2  }
0xbb: {  	s3 =	sand.u32 $0x4000, s31;
	s1 =	sadd.s32 s1, s30  }
0xbc: {  	s0 =	sor.u32 s3, s0;
	s1 =	sshll.u32 s1, $0x11  }
0xbd: {  	s0 =	sor.u32 s1, s0  }
0xbe: {  	s0 =	sadd.s32 $0x8F2B, s0  }
0xbf: {  	[sflag:s0] =	ssyncadd.remote.s32 $0x1  }
0xc0: {  	_ =	sfence.sel $0xFFFF  }
0xc1: {  	[dreg:$0x0] =	wrdreg $0xFFFFFFFF;
	(pc) =	sbr.abs _section_cstart, $3  }
0xc2: {  	[dreg:$0x1] =	wrdreg $0xFFFFFFFF  }
0xc3: {  	_ =	task.clear_ibuf [dreg:s8], $0x2FFFF;
	_ =	strace $0x9FFFFFFF  }
0xc4: {  	(tm) =	ssettm $0x7FFFFFFF  }
0xc5: {  	_ =	shalt  }
tec
execute0_lowered:
.L_overlay_start_1:
0x0: {  	(tag) =	ssettag $0x1  }
0x1: {  	s1 =	rddreg [dreg:$0x0]  }
0x2: {  	s4 =	rddreg [dreg:$0x1];
	s0 =	srdreg.scid  }
0x3: {  	s10 =	rddreg [dreg:$0x2];
	s16 =	sand.u32 $0x1, s0  }
0x4: {  	s2 =	stileid.u32;
	s3 =	simm.s32 $0x0;
	s5 =	sshll.u32 s16, $0x6  }
0x5: {  	s0 =	rddreg [dreg:$0x3];
	s6 =	sshll.u32 s2, $0x7;
	s4 =	sadd.s32 s5, s4  }
0x6: {  	[smem:$0x7FF] =	sst s3;
	s4 =	sadd.s32 s6, s4  }
0x7: {  	_ =	strace $0x80000047;
	s5 =	sadd.s32 $0x800, s4;
	s4 =	simm.s32 $0x3  }
0x8: {  	[tilespmem:s3], [sflag:$0x3] =	stream.linear.gather [hbm4b:s5+s3], $0x200, $0x38;
	[tilespmem:$0x8200] =	vst v63  }
0x9: {  	_ =	swait.ge [sflag:s4], $0x200  }
0xa: {  	s7 =	simm.s32 $0x200;
	[sflag:s4] =	ssyncset.done $0x0  }
0xb: {  	s8 =	simm.s32 $0x4200;
	s6 =	simm.s32 $0x80;
	[sflag:s4] =	ssyncadd.s32 $0xFFFFFE00  }
0xc: {  	[tilespmem:s7], [sflag:$0x1] =	stream.indirect.gather [hbm4b:s1+s6], $0x80, s3, s6, $0xb8;
	[tilespmem:$0x8200] =	vst v63  }
0xd: {  	s9 =	simm.s32 $0x1;
	s11 =	sshll.u32 s2, $0xE;
	s12 =	sshll.u32 s16, $0xD  }
0xe: {  	[tilespmem:s8], [sflag:$0x2] =	stream.indirect.gather [hbm4b:s1+s6], $0x80, s6, s6, $0xb8;
	[tilespmem:$0x8200] =	vst v63  }
0xf: {  	s11 =	sor.u32 s12, s11;
	_ =	swait.ge [sflag:s9], $0x4000  }
0x10: {  	s17 =	sadd.s32 s11, s10;
	[sflag:s9] =	ssyncset.done $0x0  }
0x11: {  	s10 =	sadd.s32 $0x2400, s17;
	[sflag:s9] =	ssyncadd.s32 $0xFFFFC000  }
0x12: {  	[hbm4b:s10+s3] =	stream.linear.scatter [tilespmem:s7], [sflag:$0x3], $0x4000, $0x38;
	[tilespmem:$0x8200] =	vst v63  }
0x13: {  	_ =	swait.ge [sflag:s4], $0x4000  }
0x14: {  	[sflag:s4] =	ssyncset.done $0x0  }
0x15: {  	s12 =	simm.s32 $0x2;
	s11 =	simm.s32 $0x100;
	[sflag:s4] =	ssyncadd.s32 $0xFFFFC000  }
0x16: {  	[tilespmem:s7], [sflag:$0x1] =	stream.indirect.gather [hbm4b:s1+s6], $0x80, s11, s6, $0xb8;
	[tilespmem:$0x8200] =	vst v63  }
0x17: {  	_ =	swait.ge [sflag:s12], $0x4000  }
0x18: {  	[sflag:s12] =	ssyncset.done $0x0  }
0x19: {  	s13 =	sadd.s32 $0x2C00, s17;
	[sflag:s12] =	ssyncadd.s32 $0xFFFFC000  }
0x1a: {  	[hbm4b:s13+s3] =	stream.linear.scatter [tilespmem:s8], [sflag:$0x3], $0x4000, $0x38;
	[tilespmem:$0x8200] =	vst v63  }
0x1b: {  	_ =	swait.ge [sflag:s4], $0x4000  }
0x1c: {  	[sflag:s4] =	ssyncset.done $0x0  }
0x1d: {  	s14 =	simm.s32 $0x180;
	[sflag:s4] =	ssyncadd.s32 $0xFFFFC000  }
0x1e: {  	[tilespmem:s8], [sflag:$0x2] =	stream.indirect.gather [hbm4b:s1+s6], $0x80, s14, s6, $0xb8;
	[tilespmem:$0x8200] =	vst v63  }
0x1f: {  	_ =	swait.ge [sflag:s9], $0x4000  }
0x20: {  	[sflag:s9] =	ssyncset.done $0x0  }
0x21: {  	s16 =	ssub.s32 $0x2, s16;
	s15 =	sadd.s32 $0x3400, s17;
	[sflag:s9] =	ssyncadd.s32 $0xFFFFC000  }
0x22: {  	[hbm4b:s15+s3] =	stream.linear.scatter [tilespmem:s7], [sflag:$0x3], $0x4000, $0x38;
	[tilespmem:$0x8200] =	vst v63  }
0x23: {  	s18 =	sshrl.u32 s16, $0x1;
	_ =	swait.ge [sflag:s4], $0x4000  }
0x24: {  	s18 =	ssub.s32 s16, s18;
	[sflag:s4] =	ssyncset.done $0x0  }
0x25: {  	s31 =	smax.u32 s18, $0x1;
	[sflag:s4] =	ssyncadd.s32 $0xFFFFC000  }
0x26: {  	p0 =	sne.s32 s31, $0x1;
	_ =	swait.ge [sflag:s12], $0x4000  }
.Ltmp0:
0x27: {  	[sflag:s12] =	ssyncset.done $0x0;
	(pc) =	sbr.rel @!p0 .LBB2_2-.Ltmp0, $4  }
0x28: {  	s16 =	sadd.s32 $0x3C00, s17;
	[sflag:s12] =	ssyncadd.s32 $0xFFFFC000  }
0x29: {  	[hbm4b:s16+s3] =	stream.linear.scatter [tilespmem:s8], [sflag:$0x3], $0x4000, $0x38;
	[tilespmem:$0x8200] =	vst v63  }
0x2a: {  	_ =	swait.ge [sflag:s4], $0x4000  }
0x2b: {  	s17 =	sadd.s32 $0xFFFFFFFF, s31;
	[sflag:s4] =	ssyncset.done $0x0  }
.LBB2_1:
0x2c: {  	p0 =	sne.s32 s17, $0x1;
	s17 =	sadd.s32 $0xFFFFFFFF, s17;
	[sflag:s4] =	ssyncadd.s32 $0xFFFFC000  }
0x2d: {  	[tilespmem:s3], [sflag:$0x3] =	stream.linear.gather [hbm4b:s5+s3], $0x200, $0x38;
	[tilespmem:$0x8200] =	vst v63  }
0x2e: {  	_ =	swait.ge [sflag:s4], $0x200  }
0x2f: {  	[sflag:s4] =	ssyncset.done $0x0  }
0x30: {  	[sflag:s4] =	ssyncadd.s32 $0xFFFFFE00  }
0x31: {  	[tilespmem:s7], [sflag:$0x1] =	stream.indirect.gather [hbm4b:s1+s6], $0x80, s3, s6, $0xb8;
	[tilespmem:$0x8200] =	vst v63  }
0x32: {  	_ = 	snop  }
0x33: {  	[tilespmem:s8], [sflag:$0x2] =	stream.indirect.gather [hbm4b:s1+s6], $0x80, s6, s6, $0xb8;
	[tilespmem:$0x8200] =	vst v63  }
0x34: {  	_ =	swait.ge [sflag:s9], $0x4000  }
0x35: {  	[sflag:s9] =	ssyncset.done $0x0  }
0x36: {  	[sflag:s9] =	ssyncadd.s32 $0xFFFFC000  }
0x37: {  	[hbm4b:s10+s3] =	stream.linear.scatter [tilespmem:s7], [sflag:$0x3], $0x4000, $0x38;
	[tilespmem:$0x8200] =	vst v63  }
0x38: {  	_ =	swait.ge [sflag:s4], $0x4000  }
0x39: {  	[sflag:s4] =	ssyncset.done $0x0  }
0x3a: {  	[sflag:s4] =	ssyncadd.s32 $0xFFFFC000  }
0x3b: {  	[tilespmem:s7], [sflag:$0x1] =	stream.indirect.gather [hbm4b:s1+s6], $0x80, s11, s6, $0xb8;
	[tilespmem:$0x8200] =	vst v63  }
0x3c: {  	_ =	swait.ge [sflag:s12], $0x4000  }
0x3d: {  	[sflag:s12] =	ssyncset.done $0x0  }
0x3e: {  	[sflag:s12] =	ssyncadd.s32 $0xFFFFC000  }
0x3f: {  	[hbm4b:s13+s3] =	stream.linear.scatter [tilespmem:s8], [sflag:$0x3], $0x4000, $0x38;
	[tilespmem:$0x8200] =	vst v63  }
0x40: {  	_ =	swait.ge [sflag:s4], $0x4000  }
0x41: {  	[sflag:s4] =	ssyncset.done $0x0  }
0x42: {  	[sflag:s4] =	ssyncadd.s32 $0xFFFFC000  }
0x43: {  	[tilespmem:s8], [sflag:$0x2] =	stream.indirect.gather [hbm4b:s1+s6], $0x80, s14, s6, $0xb8;
	[tilespmem:$0x8200] =	vst v63  }
0x44: {  	_ =	swait.ge [sflag:s9], $0x4000  }
0x45: {  	[sflag:s9] =	ssyncset.done $0x0  }
0x46: {  	[sflag:s9] =	ssyncadd.s32 $0xFFFFC000  }
0x47: {  	[hbm4b:s15+s3] =	stream.linear.scatter [tilespmem:s7], [sflag:$0x3], $0x4000, $0x38;
	[tilespmem:$0x8200] =	vst v63  }
0x48: {  	_ =	swait.ge [sflag:s4], $0x4000  }
0x49: {  	[sflag:s4] =	ssyncset.done $0x0  }
0x4a: {  	[sflag:s4] =	ssyncadd.s32 $0xFFFFC000  }
0x4b: {  	_ =	swait.ge [sflag:s12], $0x4000  }
.Ltmp1:
0x4c: {  	[sflag:s12] =	ssyncset.done $0x0;
	(pc) =	sbr.rel @p0 .LBB2_1-.Ltmp1, $4  }
0x4d: {  	[sflag:s12] =	ssyncadd.s32 $0xFFFFC000  }
0x4e: {  	[hbm4b:s16+s3] =	stream.linear.scatter [tilespmem:s8], [sflag:$0x3], $0x4000, $0x38;
	[tilespmem:$0x8200] =	vst v63  }
0x4f: {  	_ =	swait.ge [sflag:s4], $0x4000  }
0x50: {  	[sflag:s4] =	ssyncset.done $0x0  }
.LBB2_2:
0x51: {  	[sflag:s4] =	ssyncadd.s32 $0xFFFFC000  }
0x52: {  	_ =	sfence.sel $0x180000  }
0x53: {  	[bflag:$0x0] =	sbarrier.arrive $0xFFFF  }
0x54: {  	p0 =	sne.s32 s2, $0x0;
	_ =	strace $0x90000047  }
0x55: {  	s0 =	sadd.s32 @!p0 $0x100000, s0;
	[bflag:$0x2] =	sbarrier.arrive $0xFFFF  }
0x56: {  	[sflag:s0] =	ssyncadd.tile.s32 @!p0 $0x1;
	_ =	shalt  }
.Lfunc_end2:
_tile_overlayer_lowered:
.L_overlay_start_2:
0x57: {  	(tag) =	ssettag $0x2  }
0x58: {  	s0 =	rddreg [dreg:$0x0];
	s2 =	stileid.u32  }
0x59: {  	s1 =	rddreg [dreg:$0x1];
	p0 =	sne.s32 s2, $0x0  }
0x5a: {  	s3 =	rddreg [dreg:$0x2];
	[bflag:$0x3] =	sbarrier.arrive $0xFFFF;
	s2 =	simm.s32 @!p0 $0x1C03  }
0x5b: {  	[timem:s3], [sflag:s2] =	dma.local @!p0 [hbm:s0], s1  }
0x5c: {  	s0 =	simm.s32 @!p0 $0x3  }
0x5d: {  	_ =	swait.ge @!p0 [sflag:s0], s1  }
0x5e: {  	s1 =	ssub.s32 @!p0 $0x0, s1;
	[sflag:s0] =	ssyncset.done @!p0 $0x0  }
0x5f: {  	[sflag:s0] =	ssyncadd.s32 @!p0 s1  }
0x60: {  	[bflag:$0x3] =	sbarrier.arrive $0xFFFF  }
0x61: {  	_ =	shalt  }

// kernel: kernel.14.cloned.1.call-start
scs
__scs_entry_jumppad:
0x0: {  	(pc) =	sbr.rel $0x88, $3  }
0x1: {  	(tag) =	ssettag $0x0;
	lr =	simm.s32 $0x1  }
0x2: {  	[smem:$0x3F96] =	sst lr;
	_ =	strace $0xD0000000  }
0x3: {  	_ = 	snop  }
0x4: {  	_ = 	snop  }
0x5: {  	_ = 	snop  }
0x6: {  	_ = 	snop  }
0x7: {  	_ = 	snop  }
__scs_overlays_trampoline_lowered:
0x8: {  	[smem:$0x3FA5] =	sst s0  }
0x9: {  	[smem:$0x3FA6] =	sst s1  }
0xa: {  	[smem:$0x3FA7] =	sst s2  }
0xb: {  	[smem:$0x3FA8] =	sst s3  }
0xc: {  	[smem:$0x3FA9] =	sst s4  }
0xd: {  	[smem:$0x3FAA] =	sst s5  }
0xe: {  	[smem:$0x3FAB] =	sst s6  }
0xf: {  	[smem:$0x3FAC] =	sst s7  }
0x10: {  	[smem:$0x3FAD] =	sst s8  }
0x11: {  	[smem:$0x3FAE] =	sst s9;
	s0 =	simm.s32 @!p0 $0x0  }
0x12: {  	s1 =	sld [smem:$0x3F94];
	s0 =	simm.s32 @p0 $0x1  }
0x13: {  	[smem:$0x3FAF] =	sst s0;
	s0 =	simm.s32 @!p1 $0x0  }
0x14: {  	s2 =	sld [smem:$0x3F93];
	s0 =	simm.s32 @p1 $0x1  }
0x15: {  	[smem:$0x3FB0] =	sst s0;
	s0 =	simm.s32 @!p2 $0x0  }
0x16: {  	s3 =	sld [smem:$0x3FDB];
	s0 =	simm.s32 @p2 $0x1  }
0x17: {  	s4 =	simm.s32 $0x1BF5;
	[smem:$0x3FB2] =	sst s0  }
0x18: {  	s0 =	sld [smem:$0x3F95];
	_ =	swait.ge [sflag:s4], $0x0  }
0x19: {  	s7 =	sld [smem:$0x3F96]  }
0x1a: {  	s8 =	sadd.s32 $0xFFFFE003, lr  }
0x1b: {  	s9 =	sadd.s32 $0xFFFFFEF7, lr;
	s5 =	simm.s32 $0xFFFFFFFF;
	p2 =	slt.u32 s8, $0xFFFFF086  }
0x1c: {  	p1 =	slt.u32 s9, $0xF7A;
	s5 =	simm.s32 @!p2 $0x0  }
0x1d: {  	s5 =	simm.s32 @p1 $0x1;
	p0 =	seq.s32 s7, s2  }
0x1e: {  	s7 =	smul.u32 @!p0 $0xF7A, s2;
	p2 =	seq.s32 @!p0 s5, $0x0  }
0x1f: {  	s9 =	smul.u32 $0xF7A, s1;
	s8 =	simm.s32 @!p0 $0x1BF5;
	p2 =	por !p2, p0  }
0x20: {  	[sflag:s8] =	ssyncset.s32 @!p0 $0xFFFFF086;
	s6 =	sadd.s32 @!p0 s3, s7;
	s7 =	simm.s32 @!p0 $0x108  }
0x21: {  	s3 =	sadd.s32 s3, s9;
	s6 =	sadd.s32 @!p0 $0x88, s6;
	s7 =	simm.s32 @p2 $0x1082  }
0x22: {  	[simem:s7], [sflag:s8] =	dma.local @!p0 [hbm:s6], $0xF7A  }
0x23: {  	s9 =	sor.u32 $0xD0000000, s2;
	s6 =	simm.s32 $0x108;
	_ =	swait.ge @!p0 [sflag:s8], $0x0  }
0x24: {  	s3 =	sadd.s32 $0x88, s3;
	s6 =	simm.s32 @!p1 $0x1082;
	[sflag:s4] =	ssyncset.s32 $0xFFFFF086  }
0x25: {  	[simem:s6], [sflag:s4] =	dma.local [hbm:s3], $0xF7A  }
0x26: {  	[smem:$0x3F96] =	sst s1;
	(tag) =	ssettag s2;
	_ =	strace s9  }
0x27: {  	s1 =	sld [smem:$0x3FA6]  }
0x28: {  	s2 =	sld [smem:$0x3FA7]  }
0x29: {  	s4 =	sld [smem:$0x3FA9]  }
0x2a: {  	p0 =	seq.s32 s5, $0x0;
	s5 =	sld [smem:$0x3FAA]  }
0x2b: {  	s6 =	sld [smem:$0x3FAB]  }
0x2c: {  	s7 =	sld [smem:$0x3FAC]  }
0x2d: {  	s3 =	simm.s32 $0x108;
	s8 =	sld [smem:$0x3FAD]  }
0x2e: {  	s3 =	simm.s32 @!p0 $0x1082;
	s9 =	sld [smem:$0x3FAE]  }
0x2f: {  	lr =	sadd.s32 s0, s3;
	s0 =	sld [smem:$0x3FA5]  }
0x30: {  	s3 =	sld [smem:$0x3FA8]  }
0x31: {  	[smem:$0x3FB1] =	sst s10  }
0x32: {  	s10 =	sld [smem:$0x3FAF];
	_ =	sdelay $0x3  }
0x33: {  	p0 =	seq.s32 s10, $0x1;
	s10 =	sld [smem:$0x3FB1];
	_ =	sdelay $0x3  }
0x34: {  	[smem:$0x3FB1] =	sst s10  }
0x35: {  	s10 =	sld [smem:$0x3FB0];
	_ =	sdelay $0x3  }
0x36: {  	p1 =	seq.s32 s10, $0x1;
	s10 =	sld [smem:$0x3FB1];
	_ =	sdelay $0x3  }
0x37: {  	[smem:$0x3FB1] =	sst s10  }
0x38: {  	s10 =	sld [smem:$0x3FB2]  }
0x39: {  	_ = 	snop;
	(pc) =	sbr.ind lr, $3  }
0x3a: {  	_ = 	snop  }
0x3b: {  	_ = 	snop  }
0x3c: {  	p2 =	seq.s32 s10, $0x1;
	s10 =	sld [smem:$0x3FB1]  }
0x3d: {  	_ =	shalt  }
0x3e: {  	_ =	shalt  }
0x3f: {  	_ =	shalt  }
0x40: {  	_ =	shalt  }
0x41: {  	_ =	shalt  }
0x42: {  	_ =	shalt  }
0x43: {  	_ =	shalt  }
0x44: {  	_ =	shalt  }
0x45: {  	_ =	shalt  }
0x46: {  	_ =	shalt  }
0x47: {  	_ =	shalt  }
0x48: {  	_ =	shalt  }
0x49: {  	_ =	shalt  }
0x4a: {  	_ =	shalt  }
0x4b: {  	_ =	shalt  }
0x4c: {  	_ =	shalt  }
0x4d: {  	_ =	shalt  }
0x4e: {  	_ =	shalt  }
0x4f: {  	_ =	shalt  }
0x50: {  	_ =	shalt  }
0x51: {  	_ =	shalt  }
0x52: {  	_ =	shalt  }
0x53: {  	_ =	shalt  }
0x54: {  	_ =	shalt  }
0x55: {  	_ =	shalt  }
0x56: {  	_ =	shalt  }
0x57: {  	_ =	shalt  }
0x58: {  	_ =	shalt  }
0x59: {  	_ =	shalt  }
0x5a: {  	_ =	shalt  }
0x5b: {  	_ =	shalt  }
0x5c: {  	_ =	shalt  }
0x5d: {  	_ =	shalt  }
0x5e: {  	_ =	shalt  }
0x5f: {  	_ =	shalt  }
0x60: {  	_ =	shalt  }
0x61: {  	_ =	shalt  }
0x62: {  	_ =	shalt  }
0x63: {  	_ =	shalt  }
0x64: {  	_ =	shalt  }
0x65: {  	_ =	shalt  }
0x66: {  	_ =	shalt  }
0x67: {  	_ =	shalt  }
0x68: {  	_ =	shalt  }
0x69: {  	_ =	shalt  }
0x6a: {  	_ =	shalt  }
0x6b: {  	_ =	shalt  }
0x6c: {  	_ =	shalt  }
0x6d: {  	_ =	shalt  }
0x6e: {  	_ =	shalt  }
0x6f: {  	_ =	shalt  }
0x70: {  	_ =	shalt  }
0x71: {  	_ =	shalt  }
0x72: {  	_ =	shalt  }
0x73: {  	_ =	shalt  }
0x74: {  	_ =	shalt  }
0x75: {  	_ =	shalt  }
0x76: {  	_ =	shalt  }
0x77: {  	_ =	shalt  }
0x78: {  	_ =	shalt  }
0x79: {  	_ =	shalt  }
0x7a: {  	_ =	shalt  }
0x7b: {  	_ =	shalt  }
0x7c: {  	_ =	shalt  }
0x7d: {  	_ =	shalt  }
0x7e: {  	_ =	shalt  }
0x7f: {  	_ =	shalt  }
0x80: {  	_ =	shalt  }
0x81: {  	_ =	shalt  }
0x82: {  	_ =	shalt  }
0x83: {  	_ =	shalt  }
0x84: {  	_ =	shalt  }
0x85: {  	_ =	shalt  }
0x86: {  	_ =	shalt  }
0x87: {  	_ =	shalt  }
.Lfunc_end0:
.L_simem_size_0:
called_computation.2_lowered:
.L_overlay_start_0:
0x88: {  	s2 =	sld [smem:$0x3FD9]  }
0x89: {  	s3 =	sld [smem:$0x3FFE];
	_ =	sdelay $0x1  }
0x8a: {  	s1 =	srdreg.scid  }
0x8b: {  	s0 =	sand.u32 $0x1, s1  }
0x8c: {  	s17 =	sshll.u32 s0, $0xA;
	s2 =	sadd.s32 s3, s2  }
0x8d: {  	s2 =	sadd.s32 s2, s17  }
0x8e: {  	[smem:$0x3FBD] =	sst s2  }
0x8f: {  	_ = 	snop  }
0x90: {  	s2 =	sld [smem:$0x3FD0];
	(tm) =	ssettm $0x1  }
0x91: {  	s18 =	sld [smem:$0x3FFB];
	_ =	sdelay $0x3  }
0x92: {  	_ =	strace s18  }
0x93: {  	s3 =	sld [smem:$0x3FFC];
	_ =	sdelay $0x3  }
0x94: {  	_ =	strace s3  }
0x95: {  	s3 =	sld [smem:$0x3FFD];
	_ =	sdelay $0x3  }
0x96: {  	_ =	strace s3  }
0x97: {  	_ =	strace $0x8FFFFFFF  }
0x98: {  	s19 =	sld [smem:$0x3FDB];
	_ =	sdelay $0x1  }
0x99: {  	s4 =	simm.s32 $_scs_section_size  }
0x9a: {  	s5 =	simm.s32 $_size__tile_overlayer_lowered;
	s6 =	simm.s32 $_tile_overlayer_lowered  }
0x9b: {  	s22 =	simm.s32 $0x1BFF;
	s21 =	sshll.u32 s6, $0x1;
	s3 =	sadd.s32 s4, s19  }
0x9c: {  	s7 =	simm.s32 $0x0;
	s20 =	sshll.u32 s5, $0x1;
	s5 =	sadd.s32 s21, s3  }
0x9d: {  	[timem:s7], [sflag:s22] =	dma.local [hbm:s5], s20  }
0x9e: {  	_ =	swait.ge [sflag:s22], s20  }
0x9f: {  	s4 =	ssub.s32 $0x0, s20;
	[sflag:s22] =	ssyncset.done $0x0  }
0xa0: {  	[sflag:s22] =	ssyncadd.s32 s4;
	_ =	sdelay $0x1  }
0xa1: {  	s23 =	simm.s32 $0x1B8B  }
0xa2: {  	_ =	swait.ge [sflag:s23], $0x1  }
0xa3: {  	[sflag:s23] =	ssyncset.done $0x0  }
0xa4: {  	s25 =	simm.s32 $0x1B8E;
	s24 =	sld [smem:$0x3FFE];
	[sflag:s23] =	ssyncadd.s32 $0xFFFFFFFF  }
0xa5: {  	s26 =	simm.s32 $execute0_lowered;
	[smem:$0x3FD2] =	sst s25  }
0xa6: {  	s5 =	sshll.u32 s26, $0x1;
	_ =	strace $0x8000004C;
	[dreg:$0x1] =	wrdreg $0xFFFFFFFF  }
0xa7: {  	s28 =	simm.s32 $_size_execute0_lowered;
	s3 =	sadd.s32 s3, s5;
	[dreg:$0x0] =	wrdreg $0x0  }
0xa8: {  	s5 =	sshll.u32 s28, $0x1;
	[dreg:$0x2] =	wrdreg s3  }
0xa9: {  	[dreg:$0x3] =	wrdreg s5  }
0xaa: {  	[dreg:$0x4] =	wrdreg $0xC0  }
0xab: {  	_ =	task [dreg:s7], $0x5FFFF  }
0xac: {  	[dreg:$0x1] =	wrdreg $0xFFFFFFFF  }
0xad: {  	[dreg:$0x0] =	wrdreg $0x60  }
0xae: {  	[dreg:$0x2] =	wrdreg s24  }
0xaf: {  	[dreg:$0x3] =	wrdreg s2  }
0xb0: {  	[dreg:$0x4] =	wrdreg $0x9  }
0xb1: {  	_ =	task.clear_ibuf [dreg:s7], $0x5FFFF;
	_ =	strace $0x9000004C  }
0xb2: {  	s29 =	simm.s32 $0x9;
	_ =	strace $0x8000004E  }
0xb3: {  	_ =	swait.ge [sflag:s29], $0x1  }
0xb4: {  	[sflag:s29] =	ssyncadd.s32 $0xFFFFFFFF  }
0xb5: {  	_ =	strace $0x9000004E  }
0xb6: {  	_ =	sfence  }
0xb7: {  	s30 =	sld [smem:$0x0];
	_ =	sdelay $0x2  }
0xb8: {  	s31 =	sshll.u32 s1, $0xD;
	s1 =	sshrl.u32 s1, $0x2  }
0xb9: {  	s3 =	sand.u32 $0x4000, s31;
	s1 =	sadd.s32 s1, s30  }
0xba: {  	s0 =	sor.u32 s3, s0;
	s1 =	sshll.u32 s1, $0x11  }
0xbb: {  	s0 =	sor.u32 s1, s0  }
0xbc: {  	s0 =	sadd.s32 $0x8F2B, s0  }
0xbd: {  	[sflag:s0] =	ssyncadd.remote.s32 $0x1  }
0xbe: {  	_ =	sfence.sel $0xFFFF  }
0xbf: {  	[dreg:$0x0] =	wrdreg $0xFFFFFFFF;
	(pc) =	sbr.abs _section_cstart, $3  }
0xc0: {  	[dreg:$0x1] =	wrdreg $0xFFFFFFFF  }
0xc1: {  	_ =	task.clear_ibuf [dreg:s7], $0x2FFFF;
	_ =	strace $0x9FFFFFFF  }
0xc2: {  	(tm) =	ssettm $0x7FFFFFFF  }
0xc3: {  	_ =	shalt  }
tec
execute0_lowered:
.L_overlay_start_1:
0x0: {  	(tag) =	ssettag $0x1  }
0x1: {  	s1 =	stileid.u32  }
0x2: {  	p0 =	sgt.u32 s1, $0x7  }
.Ltmp0:
0x3: {  	_ = 	snop;
	(pc) =	sbr.rel @p0 .LBB2_10-.Ltmp0, $4  }
0x4: {  	s6 =	rddreg [dreg:$0x0]  }
0x5: {  	s5 =	rddreg [dreg:$0x1];
	s2 =	simm.s32 $0x0  }
0x6: {  	[smem:$0x7FF] =	sst s2  }
0x7: {  	s0 =	rddreg [dreg:$0x2];
	_ =	strace $0x8000004D  }
0x8: {  	s3 =	sadd.s32 $0x2400, s6  }
0x9: {  	s4 =	sadd.s32 $0x82600, s6;
	s7 =	srdreg.scid;
	s28 =	sadd.s32 $0x82400, s6  }
0xa: {  	s8 =	sshll.u32 s1, $0x8;
	s9 =	sshrl.u32 s1, $0x2;
	s11 =	simm.s32 $0x1100  }
0xb: {  	s12 =	simm.s32 $0x400;
	s7 =	sand.u32 $0x1, s7;
	s8 =	sand.u32 $0x300, s8  }
0xc: {  	s29 =	sshll.u32 s9, $0xF;
	s9 =	sshll.u32 s9, $0xA;
	s10 =	sshll.u32 s7, $0x7  }
.Ltmp1:
0xd: {  	s7 =	ssub.s32 $0x2, s7;
	s8 =	sor.u32 s10, s8;
	(pc) =	sbr.rel .LBB2_2-.Ltmp1, $4  }
0xe: {  	s31 =	sshrl.u32 s7, $0x1;
	s10 =	sor.u32 s29, s8;
	s8 =	sor.u32 s9, s8  }
0xf: {  	s7 =	ssub.s32 s7, s31;
	s9 =	simm.s32 $0x80;
	s30 =	sshrl.u32 s10, $0x3  }
0x10: {  	s8 =	sshrl.u32 s8, $0x3;
	s7 =	smax.u32 s7, $0x1;
	s10 =	simm.s32 $0x900  }
0x11: {  	v0 =	vimm.f32 $0.0e+00;
	v1 =	vlaneseq.u32;
	s5 =	sadd.s32 s5, s30;
	s6 =	sadd.s32 s28, s8;
	s8 =	simm.s32 $0x1  }
.LBB2_9:
0x12: {  	s2 =	sadd.s32 $0x1, s2  }
0x13: {  	p0 =	sne.s32 s2, s7  }
.Ltmp2:
0x14: {  	_ = 	snop;
	(pc) =	sbr.rel @!p0 .LBB2_10-.Ltmp2, $4  }
0x15: {  	[hbm4b:s5+s9] =	stream.strided.scatter [tilespmem:s11], [sflag:$0x1], $0x1000, s12, s9, $0x38;
	[tilespmem:$0x2100] =	vst v63  }
0x16: {  	_ =	swait.ge [sflag:s8], $0x1000  }
0x17: {  	[sflag:s8] =	ssyncset.done $0x0  }
0x18: {  	[sflag:s8] =	ssyncadd.s32 $0xFFFFF000  }
.LBB2_2:
0x19: {  	s13 =	simm.s32 $0x0  }
0x1a: {  	[tilespmem:s13], [sflag:$0x1] =	stream.linear.gather [hbm4b:s6+s13], $0x80, $0x38;
	[tilespmem:$0x2100] =	vst v63  }
0x1b: {  	_ =	swait.ge [sflag:s8], $0x80  }
0x1c: {  	[sflag:s8] =	ssyncset.done $0x0  }
0x1d: {  	[sflag:s8] =	ssyncadd.s32 $0xFFFFFF80  }
0x1e: {  	s14 =	simm.s32 $0x0;
	s13 =	simm.s32 $0x40;
	v3 =	vld [tilespmem:$0x0]  }
.LBB2_3:
0x1f: {  	p0 =	seq.s32 s13, $0x3FC0;
	[tilespmem:s14+$0x1100] =	vst v0;
	s14 =	smov.u32 s13;
	s13 =	sadd.s32 $0x40, s13  }
.Ltmp3:
0x20: {  	(pc) =	sbr.rel @!p0 .LBB2_3-.Ltmp3, $2  }
0x21: {  	_ =	sdelay $0x2  }
0x22: {  	s14 =	sshra.s32 s14, $0x2  }
0x23: {  	(v2sf) =	vpush v3, $0x0;
	_ =	sdelay $0x6  }
0x24: {  	(v2sf) =	vpush v3, $0x1;
	_ =	sdelay $0x7  }
0x25: {  	s13 =	spop (v2sf)  }
0x26: {  	s26 =	sand.u32 $0x7, s13  }
0x27: {  	s15 =	sshra.s32 s13, $0x1F;
	p0 =	slt.s32 s13, $0x1;
	p1 =	sne.s32 s26, $0x0  }
0x28: {  	s28 =	sshrl.u32 s15, $0x1D;
	p0 =	por !p0, !p1  }
0x29: {  	[tilespmem:s14+$0x1100] =	vst v0;
	s14 =	simm.s32 $0x1;
	s13 =	sadd.s32 s28, s13;
	p0 =	por !p0, !p0  }
0x2a: {  	s13 =	sshrl.u32 s13, $0x3;
	s14 =	simm.s32 @!p0 $0x0  }
0x2b: {  	s13 =	ssub.s32 s13, s14  }
0x2c: {  	s29 =	spop (v2sf);
	s13 =	sshll.u32 s13, $0x3  }
0x2d: {  	s14 =	ssub.s32 s29, s13  }
0x2e: {  	s14 =	sadd.s32 $0x7FF, s14  }
0x2f: {  	s30 =	sand.u32 $0x7FF, s14  }
0x30: {  	s31 =	sshra.s32 s14, $0x1F;
	p6 =	slt.s32 s14, $0x1;
	p5 =	sne.s32 s30, $0x0  }
0x31: {  	s15 =	sshrl.u32 s31, $0x15;
	p0 =	por !p6, !p5  }
0x32: {  	s14 =	sadd.s32 s15, s14;
	s15 =	simm.s32 $0x1;
	p0 =	por !p0, !p0  }
0x33: {  	s14 =	sshra.s32 s14, $0xB;
	s15 =	simm.s32 @!p0 $0x0  }
0x34: {  	s14 =	ssub.s32 s14, s15  }
0x35: {  	p0 =	slt.s32 s14, $0x1  }
.Ltmp4:
0x36: {  	_ = 	snop;
	(pc) =	sbr.rel @p0 .LBB2_9-.Ltmp4, $1  }
0x37: {  	_ =	sdelay $0x3  }
0x38: {  	v2 =	vbroadcast v3, $0x0;
	v3 =	vbroadcast v3, $0x1;
	s15 =	simm.s32 $0x0;
	s16 =	smov.u32 s13;
	s17 =	simm.s32 $0x0  }
.LBB2_6:
0x39: {  	s18 =	sshll.u32 s17, $0xB  }
0x3a: {  	s18 =	sadd.s32 s13, s18  }
0x3b: {  	s18 =	sshrl.u32 s18, $0x3  }
0x3c: {  	s19 =	sadd.s32 s4, s18  }
0x3d: {  	[tilespmem:s9], [sflag:$0x1] =	stream.linear.gather [hbm4b:s19+s15], $0x810, $0x38;
	[tilespmem:$0x2100] =	vst v63  }
0x3e: {  	_ =	swait.ge [sflag:s8], $0x810  }
0x3f: {  	[sflag:s8] =	ssyncset.done $0x0  }
0x40: {  	s18 =	sadd.s32 s3, s18;
	[sflag:s8] =	ssyncadd.s32 $0xFFFFF7F0  }
0x41: {  	[tilespmem:s10], [sflag:$0x1] =	stream.linear.gather [hbm4b:s18+s15], $0x800, $0x38;
	[tilespmem:$0x2100] =	vst v63  }
0x42: {  	_ =	swait.ge [sflag:s8], $0x800  }
0x43: {  	[sflag:s8] =	ssyncset.done $0x0  }
0x44: {  	s31 =	simm.s32 $0x0;
	[sflag:s8] =	ssyncadd.s32 $0xFFFFF800  }
0x45: {  	v4 =	vld [tilespmem:s31+$0x80];
	_ =	sdelay $0x1  }
0x46: {  	v5 =	vadd.s32 s16, v1  }
0x47: {  	vm0 =	vge.s32 v5, v2;
	vm1 =	vlt.s32 v5, v3  }
0x48: {  	vm0 =	vmand vm0, vm1  }
0x49: {  	(xrf1) =	vunique.msk.u32 vm0, v4;
	_ =	sdelay $0xd  }
0x4a: {  	_, v5, vm15 =	vpop (xrf1)  }
0x4b: {  	vm0 =	vmand vm0, vm15  }
0x4c: {  	v5 =	vld [tilespmem:s31+$0x900];
	_ =	sdelay $0x4  }
0x4d: {  	s20 =	simm.s32 $0x80;
	s19 =	smov.u32 s16;
	s18 =	simm.s32 $0x10;
	[tilespmem:v4+s11+$0x0] =	vst.idx.msk vm0, v5  }
.LBB2_7:
0x4e: {  	p0 =	sne.s32 s20, $0x1FC0;
	v4 =	vld [tilespmem:s18+$0x80]  }
0x4f: {  	s19 =	sadd.s32 $0x10, s19  }
0x50: {  	v5 =	vadd.s32 s19, v1  }
0x51: {  	vm0 =	vge.s32 v5, v2;
	vm1 =	vlt.s32 v5, v3  }
0x52: {  	vm0 =	vmand vm0, vm1  }
0x53: {  	(xrf1) =	vunique.msk.u32 vm0, v4;
	_ =	sdelay $0xd  }
0x54: {  	_, v5, vm1 =	vpop (xrf1)  }
0x55: {  	vm0 =	vmand vm0, vm1  }
0x56: {  	v5 =	vld [tilespmem:s18+$0x900]  }
.Ltmp5:
0x57: {  	(pc) =	sbr.rel @p0 .LBB2_7-.Ltmp5, $2  }
0x58: {  	_ =	sdelay $0x2  }
0x59: {  	s18 =	sshra.s32 s20, $0x2;
	s20 =	sadd.s32 $0x40, s20;
	[tilespmem:v4+s11+$0x0] =	vst.idx.msk vm0, v5  }
0x5a: {  	v4 =	vld [tilespmem:s18+$0x80]  }
0x5b: {  	s19 =	sadd.s32 $0x10, s19  }
0x5c: {  	v5 =	vadd.s32 s19, v1  }
0x5d: {  	vm0 =	vge.s32 v5, v2;
	vm1 =	vlt.s32 v5, v3  }
0x5e: {  	vm0 =	vmand vm0, vm1  }
0x5f: {  	(xrf1) =	vunique.msk.u32 vm0, v4;
	_ =	sdelay $0xd  }
0x60: {  	_, v5, vm15 =	vpop (xrf1)  }
0x61: {  	s17 =	sadd.s32 $0x1, s17;
	vm0 =	vmand vm0, vm15  }
0x62: {  	p0 =	sne.s32 s17, s14;
	v5 =	vld [tilespmem:s18+$0x900]  }
.Ltmp6:
0x63: {  	_ = 	snop;
	(pc) =	sbr.rel @p0 .LBB2_6-.Ltmp6, $4  }
.Ltmp7:
0x64: {  	_ = 	snop;
	(pc) =	sbr.rel @!p0 .LBB2_9-.Ltmp7, $4  }
0x65: {  	_ = 	snop  }
0x66: {  	_ = 	snop  }
0x67: {  	s16 =	sadd.s32 $0x800, s16;
	[tilespmem:v4+s11+$0x0] =	vst.idx.msk vm0, v5  }
0x68: {  	_ = 	snop  }
.LBB2_10:
0x69: {  	_ =	sfence.sel $0x180000  }
0x6a: {  	[bflag:$0x0] =	sbarrier.arrive $0xFFFF  }
0x6b: {  	p0 =	sne.s32 s1, $0x0;
	_ =	strace $0x9000004D  }
0x6c: {  	s0 =	sadd.s32 @!p0 $0x100000, s0;
	[bflag:$0x2] =	sbarrier.arrive $0xFFFF  }
0x6d: {  	[sflag:s0] =	ssyncadd.tile.s32 @!p0 $0x1;
	_ =	shalt  }
.Lfunc_end2:
_tile_overlayer_lowered:
.L_overlay_start_2:
0x6e: {  	(tag) =	ssettag $0x2  }
0x6f: {  	s0 =	rddreg [dreg:$0x0];
	s2 =	stileid.u32  }
0x70: {  	s1 =	rddreg [dreg:$0x1];
	p0 =	sne.s32 s2, $0x0  }
0x71: {  	s3 =	rddreg [dreg:$0x2];
	[bflag:$0x3] =	sbarrier.arrive $0xFFFF;
	s2 =	simm.s32 @!p0 $0x1C01  }
0x72: {  	[timem:s3], [sflag:s2] =	dma.local @!p0 [hbm:s0], s1  }
0x73: {  	s0 =	simm.s32 @!p0 $0x1  }
0x74: {  	_ =	swait.ge @!p0 [sflag:s0], s1  }
0x75: {  	s1 =	ssub.s32 @!p0 $0x0, s1;
	[sflag:s0] =	ssyncset.done @!p0 $0x0  }
0x76: {  	[sflag:s0] =	ssyncadd.s32 @!p0 s1  }
0x77: {  	[bflag:$0x3] =	sbarrier.arrive $0xFFFF  }
0x78: {  	_ =	shalt  }

// kernel: kernel.8.cloned.1.call-start
scs
__scs_entry_jumppad:
0x0: {  	(pc) =	sbr.rel $0x88, $3  }
0x1: {  	(tag) =	ssettag $0x0;
	lr =	simm.s32 $0x1  }
0x2: {  	[smem:$0x3F96] =	sst lr;
	_ =	strace $0xD0000000  }
0x3: {  	_ = 	snop  }
0x4: {  	_ = 	snop  }
0x5: {  	_ = 	snop  }
0x6: {  	_ = 	snop  }
0x7: {  	_ = 	snop  }
__scs_overlays_trampoline_lowered:
0x8: {  	[smem:$0x3FA5] =	sst s0  }
0x9: {  	[smem:$0x3FA6] =	sst s1  }
0xa: {  	[smem:$0x3FA7] =	sst s2  }
0xb: {  	[smem:$0x3FA8] =	sst s3  }
0xc: {  	[smem:$0x3FA9] =	sst s4  }
0xd: {  	[smem:$0x3FAA] =	sst s5  }
0xe: {  	[smem:$0x3FAB] =	sst s6  }
0xf: {  	[smem:$0x3FAC] =	sst s7  }
0x10: {  	[smem:$0x3FAD] =	sst s8  }
0x11: {  	[smem:$0x3FAE] =	sst s9;
	s0 =	simm.s32 @!p0 $0x0  }
0x12: {  	s1 =	sld [smem:$0x3F94];
	s0 =	simm.s32 @p0 $0x1  }
0x13: {  	[smem:$0x3FAF] =	sst s0;
	s0 =	simm.s32 @!p1 $0x0  }
0x14: {  	s2 =	sld [smem:$0x3F93];
	s0 =	simm.s32 @p1 $0x1  }
0x15: {  	[smem:$0x3FB0] =	sst s0;
	s0 =	simm.s32 @!p2 $0x0  }
0x16: {  	s3 =	sld [smem:$0x3FDB];
	s0 =	simm.s32 @p2 $0x1  }
0x17: {  	s4 =	simm.s32 $0x1BF5;
	[smem:$0x3FB2] =	sst s0  }
0x18: {  	s0 =	sld [smem:$0x3F95];
	_ =	swait.ge [sflag:s4], $0x0  }
0x19: {  	s7 =	sld [smem:$0x3F96]  }
0x1a: {  	s8 =	sadd.s32 $0xFFFFE003, lr  }
0x1b: {  	s9 =	sadd.s32 $0xFFFFFEF7, lr;
	s5 =	simm.s32 $0xFFFFFFFF;
	p2 =	slt.u32 s8, $0xFFFFF086  }
0x1c: {  	p1 =	slt.u32 s9, $0xF7A;
	s5 =	simm.s32 @!p2 $0x0  }
0x1d: {  	s5 =	simm.s32 @p1 $0x1;
	p0 =	seq.s32 s7, s2  }
0x1e: {  	s7 =	smul.u32 @!p0 $0xF7A, s2;
	p2 =	seq.s32 @!p0 s5, $0x0  }
0x1f: {  	s9 =	smul.u32 $0xF7A, s1;
	s8 =	simm.s32 @!p0 $0x1BF5;
	p2 =	por !p2, p0  }
0x20: {  	[sflag:s8] =	ssyncset.s32 @!p0 $0xFFFFF086;
	s6 =	sadd.s32 @!p0 s3, s7;
	s7 =	simm.s32 @!p0 $0x108  }
0x21: {  	s3 =	sadd.s32 s3, s9;
	s6 =	sadd.s32 @!p0 $0x88, s6;
	s7 =	simm.s32 @p2 $0x1082  }
0x22: {  	[simem:s7], [sflag:s8] =	dma.local @!p0 [hbm:s6], $0xF7A  }
0x23: {  	s9 =	sor.u32 $0xD0000000, s2;
	s6 =	simm.s32 $0x108;
	_ =	swait.ge @!p0 [sflag:s8], $0x0  }
0x24: {  	s3 =	sadd.s32 $0x88, s3;
	s6 =	simm.s32 @!p1 $0x1082;
	[sflag:s4] =	ssyncset.s32 $0xFFFFF086  }
0x25: {  	[simem:s6], [sflag:s4] =	dma.local [hbm:s3], $0xF7A  }
0x26: {  	[smem:$0x3F96] =	sst s1;
	(tag) =	ssettag s2;
	_ =	strace s9  }
0x27: {  	s1 =	sld [smem:$0x3FA6]  }
0x28: {  	s2 =	sld [smem:$0x3FA7]  }
0x29: {  	s4 =	sld [smem:$0x3FA9]  }
0x2a: {  	p0 =	seq.s32 s5, $0x0;
	s5 =	sld [smem:$0x3FAA]  }
0x2b: {  	s6 =	sld [smem:$0x3FAB]  }
0x2c: {  	s7 =	sld [smem:$0x3FAC]  }
0x2d: {  	s3 =	simm.s32 $0x108;
	s8 =	sld [smem:$0x3FAD]  }
0x2e: {  	s3 =	simm.s32 @!p0 $0x1082;
	s9 =	sld [smem:$0x3FAE]  }
0x2f: {  	lr =	sadd.s32 s0, s3;
	s0 =	sld [smem:$0x3FA5]  }
0x30: {  	s3 =	sld [smem:$0x3FA8]  }
0x31: {  	[smem:$0x3FB1] =	sst s10  }
0x32: {  	s10 =	sld [smem:$0x3FAF];
	_ =	sdelay $0x3  }
0x33: {  	p0 =	seq.s32 s10, $0x1;
	s10 =	sld [smem:$0x3FB1];
	_ =	sdelay $0x3  }
0x34: {  	[smem:$0x3FB1] =	sst s10  }
0x35: {  	s10 =	sld [smem:$0x3FB0];
	_ =	sdelay $0x3  }
0x36: {  	p1 =	seq.s32 s10, $0x1;
	s10 =	sld [smem:$0x3FB1];
	_ =	sdelay $0x3  }
0x37: {  	[smem:$0x3FB1] =	sst s10  }
0x38: {  	s10 =	sld [smem:$0x3FB2]  }
0x39: {  	_ = 	snop;
	(pc) =	sbr.ind lr, $3  }
0x3a: {  	_ = 	snop  }
0x3b: {  	_ = 	snop  }
0x3c: {  	p2 =	seq.s32 s10, $0x1;
	s10 =	sld [smem:$0x3FB1]  }
0x3d: {  	_ =	shalt  }
0x3e: {  	_ =	shalt  }
0x3f: {  	_ =	shalt  }
0x40: {  	_ =	shalt  }
0x41: {  	_ =	shalt  }
0x42: {  	_ =	shalt  }
0x43: {  	_ =	shalt  }
0x44: {  	_ =	shalt  }
0x45: {  	_ =	shalt  }
0x46: {  	_ =	shalt  }
0x47: {  	_ =	shalt  }
0x48: {  	_ =	shalt  }
0x49: {  	_ =	shalt  }
0x4a: {  	_ =	shalt  }
0x4b: {  	_ =	shalt  }
0x4c: {  	_ =	shalt  }
0x4d: {  	_ =	shalt  }
0x4e: {  	_ =	shalt  }
0x4f: {  	_ =	shalt  }
0x50: {  	_ =	shalt  }
0x51: {  	_ =	shalt  }
0x52: {  	_ =	shalt  }
0x53: {  	_ =	shalt  }
0x54: {  	_ =	shalt  }
0x55: {  	_ =	shalt  }
0x56: {  	_ =	shalt  }
0x57: {  	_ =	shalt  }
0x58: {  	_ =	shalt  }
0x59: {  	_ =	shalt  }
0x5a: {  	_ =	shalt  }
0x5b: {  	_ =	shalt  }
0x5c: {  	_ =	shalt  }
0x5d: {  	_ =	shalt  }
0x5e: {  	_ =	shalt  }
0x5f: {  	_ =	shalt  }
0x60: {  	_ =	shalt  }
0x61: {  	_ =	shalt  }
0x62: {  	_ =	shalt  }
0x63: {  	_ =	shalt  }
0x64: {  	_ =	shalt  }
0x65: {  	_ =	shalt  }
0x66: {  	_ =	shalt  }
0x67: {  	_ =	shalt  }
0x68: {  	_ =	shalt  }
0x69: {  	_ =	shalt  }
0x6a: {  	_ =	shalt  }
0x6b: {  	_ =	shalt  }
0x6c: {  	_ =	shalt  }
0x6d: {  	_ =	shalt  }
0x6e: {  	_ =	shalt  }
0x6f: {  	_ =	shalt  }
0x70: {  	_ =	shalt  }
0x71: {  	_ =	shalt  }
0x72: {  	_ =	shalt  }
0x73: {  	_ =	shalt  }
0x74: {  	_ =	shalt  }
0x75: {  	_ =	shalt  }
0x76: {  	_ =	shalt  }
0x77: {  	_ =	shalt  }
0x78: {  	_ =	shalt  }
0x79: {  	_ =	shalt  }
0x7a: {  	_ =	shalt  }
0x7b: {  	_ =	shalt  }
0x7c: {  	_ =	shalt  }
0x7d: {  	_ =	shalt  }
0x7e: {  	_ =	shalt  }
0x7f: {  	_ =	shalt  }
0x80: {  	_ =	shalt  }
0x81: {  	_ =	shalt  }
0x82: {  	_ =	shalt  }
0x83: {  	_ =	shalt  }
0x84: {  	_ =	shalt  }
0x85: {  	_ =	shalt  }
0x86: {  	_ =	shalt  }
0x87: {  	_ =	shalt  }
.Lfunc_end0:
.L_simem_size_0:
called_computation_lowered:
.L_overlay_start_0:
0x88: {  	s2 =	sld [smem:$0x3FD9]  }
0x89: {  	s3 =	sld [smem:$0x3FFE];
	_ =	sdelay $0x1  }
0x8a: {  	s1 =	srdreg.scid  }
0x8b: {  	s0 =	sand.u32 $0x1, s1  }
0x8c: {  	s17 =	sshll.u32 s0, $0xA;
	s2 =	sadd.s32 s3, s2  }
0x8d: {  	s2 =	sadd.s32 s2, s17  }
0x8e: {  	[smem:$0x3FBD] =	sst s2  }
0x8f: {  	_ = 	snop  }
0x90: {  	s18 =	sld [smem:$0x3FC8]  }
0x91: {  	s4 =	sld [smem:$0x3FC7];
	(tm) =	ssettm $0x1  }
0x92: {  	s19 =	sld [smem:$0x3FFB];
	_ =	sdelay $0x3  }
0x93: {  	_ =	strace s19  }
0x94: {  	s2 =	sld [smem:$0x3FFC];
	_ =	sdelay $0x3  }
0x95: {  	_ =	strace s2  }
0x96: {  	s2 =	sld [smem:$0x3FFD];
	_ =	sdelay $0x3  }
0x97: {  	_ =	strace s2  }
0x98: {  	_ =	strace $0x8FFFFFFF  }
0x99: {  	s20 =	sld [smem:$0x3FDB];
	_ =	sdelay $0x1  }
0x9a: {  	s5 =	simm.s32 $_scs_section_size  }
0x9b: {  	s6 =	simm.s32 $_size__tile_overlayer_lowered;
	s7 =	simm.s32 $_tile_overlayer_lowered  }
0x9c: {  	s8 =	simm.s32 $0x1BFF;
	s21 =	sshll.u32 s7, $0x1;
	s5 =	sadd.s32 s5, s20  }
0x9d: {  	s22 =	simm.s32 $0x0;
	s6 =	sshll.u32 s6, $0x1;
	s7 =	sadd.s32 s21, s5  }
0x9e: {  	[timem:s22], [sflag:s8] =	dma.local [hbm:s7], s6  }
0x9f: {  	_ =	swait.ge [sflag:s8], s6  }
0xa0: {  	s6 =	ssub.s32 $0x0, s6;
	[sflag:s8] =	ssyncset.done $0x0  }
0xa1: {  	[sflag:s8] =	ssyncadd.s32 s6;
	_ =	sdelay $0x1  }
0xa2: {  	s23 =	simm.s32 $0x1B8B  }
0xa3: {  	_ =	swait.ge [sflag:s23], $0x1  }
0xa4: {  	[sflag:s23] =	ssyncset.done $0x0  }
0xa5: {  	[sflag:s23] =	ssyncadd.s32 $0xFFFFFFFF  }
0xa6: {  	s6 =	sld [smem:$0x0]  }
0xa7: {  	s7 =	sand.u32 $0xFFFFFFFE, s1  }
0xa8: {  	p0 =	sne.s32 s1, s7  }
0xa9: {  	s7 =	sshll.u32 @p0 s7, $0xE  }
0xaa: {  	s7 =	sadd.s32 @p0 $0x11B8D, s7;
	s8 =	sshll.u32 @p0 s6, $0x11  }
0xab: {  	s7 =	sor.u32 @p0 s8, s7  }
0xac: {  	[sflag:s7] =	ssyncadd.remote.s32 @p0 $0x1;
	_ =	sdelay $0x1  }
0xad: {  	s7 =	simm.s32 @p0 $0x1B8D  }
0xae: {  	_ =	swait.eq @p0 [sflag:s7], $0x1  }
0xaf: {  	[sflag:s7] =	ssyncadd.s32 @p0 $0xFFFFFFFF  }
0xb0: {  	s8 =	sshll.u32 @!p0 s1, $0xE  }
0xb1: {  	s8 =	sor.u32 @!p0 $0x4000, s8;
	s7 =	simm.s32 @!p0 $0x1B8D  }
0xb2: {  	s6 =	sshll.u32 @!p0 s6, $0x11;
	s8 =	sadd.s32 @!p0 $0x11B8D, s8;
	_ =	swait.eq @!p0 [sflag:s7], $0x1  }
0xb3: {  	s6 =	sor.u32 @!p0 s6, s8;
	[sflag:s7] =	ssyncadd.s32 @!p0 $0xFFFFFFFF  }
0xb4: {  	s25 =	simm.s32 $0x1B8E;
	s24 =	sld [smem:$0x3FFE];
	[sflag:s6] =	ssyncadd.remote.s32 @!p0 $0x1  }
0xb5: {  	s26 =	simm.s32 $execute0_lowered;
	[smem:$0x3FD2] =	sst s25  }
0xb6: {  	s7 =	sshll.u32 s26, $0x1;
	_ =	strace $0x80000049;
	[dreg:$0x1] =	wrdreg $0xFFFFFFFF  }
0xb7: {  	s28 =	simm.s32 $_size_execute0_lowered;
	s5 =	sadd.s32 s5, s7;
	[dreg:$0x0] =	wrdreg $0x0  }
0xb8: {  	s7 =	sshll.u32 s28, $0x1;
	[dreg:$0x2] =	wrdreg s5  }
0xb9: {  	[dreg:$0x3] =	wrdreg s7  }
0xba: {  	[dreg:$0x4] =	wrdreg $0xC0  }
0xbb: {  	_ =	task [dreg:s22], $0x5FFFF  }
0xbc: {  	[dreg:$0x1] =	wrdreg $0xFFFFFFFF  }
0xbd: {  	[dreg:$0x0] =	wrdreg $0x60  }
0xbe: {  	[dreg:$0x2] =	wrdreg s18  }
0xbf: {  	[dreg:$0x3] =	wrdreg s4  }
0xc0: {  	[dreg:$0x4] =	wrdreg s24  }
0xc1: {  	[dreg:$0x5] =	wrdreg $0x9  }
0xc2: {  	_ =	task.clear_ibuf [dreg:s22], $0x6FFFF;
	_ =	strace $0x90000049  }
0xc3: {  	s29 =	simm.s32 $0x9;
	_ =	strace $0x8000004B  }
0xc4: {  	_ =	swait.ge [sflag:s29], $0x1  }
0xc5: {  	[sflag:s29] =	ssyncadd.s32 $0xFFFFFFFF  }
0xc6: {  	_ =	strace $0x9000004B  }
0xc7: {  	_ =	sfence  }
0xc8: {  	s30 =	sld [smem:$0x0];
	_ =	sdelay $0x2  }
0xc9: {  	s31 =	sshll.u32 s1, $0xD;
	s1 =	sshrl.u32 s1, $0x2  }
0xca: {  	s4 =	sand.u32 $0x4000, s31;
	s1 =	sadd.s32 s1, s30  }
0xcb: {  	s0 =	sor.u32 s4, s0;
	s1 =	sshll.u32 s1, $0x11  }
0xcc: {  	s0 =	sor.u32 s1, s0  }
0xcd: {  	s0 =	sadd.s32 $0x8F2B, s0  }
0xce: {  	[sflag:s0] =	ssyncadd.remote.s32 $0x1  }
0xcf: {  	_ =	sfence.sel $0xFFFF  }
0xd0: {  	[dreg:$0x0] =	wrdreg $0xFFFFFFFF;
	(pc) =	sbr.abs _section_cstart, $3  }
0xd1: {  	[dreg:$0x1] =	wrdreg $0xFFFFFFFF  }
0xd2: {  	_ =	task.clear_ibuf [dreg:s22], $0x2FFFF;
	_ =	strace $0x9FFFFFFF  }
0xd3: {  	(tm) =	ssettm $0x7FFFFFFF  }
tec
execute0_lowered:
.L_overlay_start_1:
0x0: {  	(tag) =	ssettag $0x1  }
0x1: {  	s1 =	rddreg [dreg:$0x0]  }
0x2: {  	s4 =	rddreg [dreg:$0x1]  }
0x3: {  	s10 =	rddreg [dreg:$0x2];
	s2 =	srdreg.scid  }
0x4: {  	s0 =	rddreg [dreg:$0x3];
	s16 =	sand.u32 $0x1, s2  }
0x5: {  	s3 =	simm.s32 $0x0;
	s2 =	stileid.u32;
	s5 =	sshll.u32 s16, $0x6  }
0x6: {  	[smem:$0x7FF] =	sst s3;
	s6 =	sshll.u32 s2, $0x7;
	s4 =	sadd.s32 s4, s5  }
0x7: {  	_ =	strace $0x8000004A;
	s5 =	sadd.s32 s6, s4;
	s4 =	simm.s32 $0x3  }
0x8: {  	[tilespmem:s3], [sflag:$0x3] =	stream.linear.gather [hbm4b:s5+s3], $0x200, $0x38;
	[tilespmem:$0x8200] =	vst v63  }
0x9: {  	_ =	swait.ge [sflag:s4], $0x200  }
0xa: {  	s7 =	simm.s32 $0x200;
	[sflag:s4] =	ssyncset.done $0x0  }
0xb: {  	s8 =	simm.s32 $0x4200;
	s6 =	simm.s32 $0x80;
	[sflag:s4] =	ssyncadd.s32 $0xFFFFFE00  }
0xc: {  	[tilespmem:s7], [sflag:$0x1] =	stream.indirect.gather [hbm4b:s1+s6], $0x80, s3, s6, $0xb8;
	[tilespmem:$0x8200] =	vst v63  }
0xd: {  	s9 =	simm.s32 $0x1;
	s11 =	sshll.u32 s2, $0xE;
	s12 =	sshll.u32 s16, $0xD  }
0xe: {  	[tilespmem:s8], [sflag:$0x2] =	stream.indirect.gather [hbm4b:s1+s6], $0x80, s6, s6, $0xb8;
	[tilespmem:$0x8200] =	vst v63  }
0xf: {  	s11 =	sor.u32 s12, s11;
	_ =	swait.ge [sflag:s9], $0x4000  }
0x10: {  	s17 =	sadd.s32 s11, s10;
	[sflag:s9] =	ssyncset.done $0x0  }
0x11: {  	s10 =	sadd.s32 $0x42400, s17;
	[sflag:s9] =	ssyncadd.s32 $0xFFFFC000  }
0x12: {  	[hbm4b:s10+s3] =	stream.linear.scatter [tilespmem:s7], [sflag:$0x3], $0x4000, $0x38;
	[tilespmem:$0x8200] =	vst v63  }
0x13: {  	_ =	swait.ge [sflag:s4], $0x4000  }
0x14: {  	[sflag:s4] =	ssyncset.done $0x0  }
0x15: {  	s12 =	simm.s32 $0x2;
	s11 =	simm.s32 $0x100;
	[sflag:s4] =	ssyncadd.s32 $0xFFFFC000  }
0x16: {  	[tilespmem:s7], [sflag:$0x1] =	stream.indirect.gather [hbm4b:s1+s6], $0x80, s11, s6, $0xb8;
	[tilespmem:$0x8200] =	vst v63  }
0x17: {  	_ =	swait.ge [sflag:s12], $0x4000  }
0x18: {  	[sflag:s12] =	ssyncset.done $0x0  }
0x19: {  	s13 =	sadd.s32 $0x42C00, s17;
	[sflag:s12] =	ssyncadd.s32 $0xFFFFC000  }
0x1a: {  	[hbm4b:s13+s3] =	stream.linear.scatter [tilespmem:s8], [sflag:$0x3], $0x4000, $0x38;
	[tilespmem:$0x8200] =	vst v63  }
0x1b: {  	_ =	swait.ge [sflag:s4], $0x4000  }
0x1c: {  	[sflag:s4] =	ssyncset.done $0x0  }
0x1d: {  	s14 =	simm.s32 $0x180;
	[sflag:s4] =	ssyncadd.s32 $0xFFFFC000  }
0x1e: {  	[tilespmem:s8], [sflag:$0x2] =	stream.indirect.gather [hbm4b:s1+s6], $0x80, s14, s6, $0xb8;
	[tilespmem:$0x8200] =	vst v63  }
0x1f: {  	_ =	swait.ge [sflag:s9], $0x4000  }
0x20: {  	[sflag:s9] =	ssyncset.done $0x0  }
0x21: {  	s16 =	ssub.s32 $0x2, s16;
	s15 =	sadd.s32 $0x43400, s17;
	[sflag:s9] =	ssyncadd.s32 $0xFFFFC000  }
0x22: {  	[hbm4b:s15+s3] =	stream.linear.scatter [tilespmem:s7], [sflag:$0x3], $0x4000, $0x38;
	[tilespmem:$0x8200] =	vst v63  }
0x23: {  	s18 =	sshrl.u32 s16, $0x1;
	_ =	swait.ge [sflag:s4], $0x4000  }
0x24: {  	s18 =	ssub.s32 s16, s18;
	[sflag:s4] =	ssyncset.done $0x0  }
0x25: {  	s31 =	smax.u32 s18, $0x1;
	[sflag:s4] =	ssyncadd.s32 $0xFFFFC000  }
0x26: {  	p0 =	sne.s32 s31, $0x1;
	_ =	swait.ge [sflag:s12], $0x4000  }
.Ltmp0:
0x27: {  	[sflag:s12] =	ssyncset.done $0x0;
	(pc) =	sbr.rel @!p0 .LBB2_2-.Ltmp0, $4  }
0x28: {  	s16 =	sadd.s32 $0x43C00, s17;
	[sflag:s12] =	ssyncadd.s32 $0xFFFFC000  }
0x29: {  	[hbm4b:s16+s3] =	stream.linear.scatter [tilespmem:s8], [sflag:$0x3], $0x4000, $0x38;
	[tilespmem:$0x8200] =	vst v63  }
0x2a: {  	_ =	swait.ge [sflag:s4], $0x4000  }
0x2b: {  	s17 =	sadd.s32 $0xFFFFFFFF, s31;
	[sflag:s4] =	ssyncset.done $0x0  }
.LBB2_1:
0x2c: {  	p0 =	sne.s32 s17, $0x1;
	s17 =	sadd.s32 $0xFFFFFFFF, s17;
	[sflag:s4] =	ssyncadd.s32 $0xFFFFC000  }
0x2d: {  	[tilespmem:s3], [sflag:$0x3] =	stream.linear.gather [hbm4b:s5+s3], $0x200, $0x38;
	[tilespmem:$0x8200] =	vst v63  }
0x2e: {  	_ =	swait.ge [sflag:s4], $0x200  }
0x2f: {  	[sflag:s4] =	ssyncset.done $0x0  }
0x30: {  	[sflag:s4] =	ssyncadd.s32 $0xFFFFFE00  }
0x31: {  	[tilespmem:s7], [sflag:$0x1] =	stream.indirect.gather [hbm4b:s1+s6], $0x80, s3, s6, $0xb8;
	[tilespmem:$0x8200] =	vst v63  }
0x32: {  	_ = 	snop  }
0x33: {  	[tilespmem:s8], [sflag:$0x2] =	stream.indirect.gather [hbm4b:s1+s6], $0x80, s6, s6, $0xb8;
	[tilespmem:$0x8200] =	vst v63  }
0x34: {  	_ =	swait.ge [sflag:s9], $0x4000  }
0x35: {  	[sflag:s9] =	ssyncset.done $0x0  }
0x36: {  	[sflag:s9] =	ssyncadd.s32 $0xFFFFC000  }
0x37: {  	[hbm4b:s10+s3] =	stream.linear.scatter [tilespmem:s7], [sflag:$0x3], $0x4000, $0x38;
	[tilespmem:$0x8200] =	vst v63  }
0x38: {  	_ =	swait.ge [sflag:s4], $0x4000  }
0x39: {  	[sflag:s4] =	ssyncset.done $0x0  }
0x3a: {  	[sflag:s4] =	ssyncadd.s32 $0xFFFFC000  }
0x3b: {  	[tilespmem:s7], [sflag:$0x1] =	stream.indirect.gather [hbm4b:s1+s6], $0x80, s11, s6, $0xb8;
	[tilespmem:$0x8200] =	vst v63  }
0x3c: {  	_ =	swait.ge [sflag:s12], $0x4000  }
0x3d: {  	[sflag:s12] =	ssyncset.done $0x0  }
0x3e: {  	[sflag:s12] =	ssyncadd.s32 $0xFFFFC000  }
0x3f: {  	[hbm4b:s13+s3] =	stream.linear.scatter [tilespmem:s8], [sflag:$0x3], $0x4000, $0x38;
	[tilespmem:$0x8200] =	vst v63  }
0x40: {  	_ =	swait.ge [sflag:s4], $0x4000  }
0x41: {  	[sflag:s4] =	ssyncset.done $0x0  }
0x42: {  	[sflag:s4] =	ssyncadd.s32 $0xFFFFC000  }
0x43: {  	[tilespmem:s8], [sflag:$0x2] =	stream.indirect.gather [hbm4b:s1+s6], $0x80, s14, s6, $0xb8;
	[tilespmem:$0x8200] =	vst v63  }
0x44: {  	_ =	swait.ge [sflag:s9], $0x4000  }
0x45: {  	[sflag:s9] =	ssyncset.done $0x0  }
0x46: {  	[sflag:s9] =	ssyncadd.s32 $0xFFFFC000  }
0x47: {  	[hbm4b:s15+s3] =	stream.linear.scatter [tilespmem:s7], [sflag:$0x3], $0x4000, $0x38;
	[tilespmem:$0x8200] =	vst v63  }
0x48: {  	_ =	swait.ge [sflag:s4], $0x4000  }
0x49: {  	[sflag:s4] =	ssyncset.done $0x0  }
0x4a: {  	[sflag:s4] =	ssyncadd.s32 $0xFFFFC000  }
0x4b: {  	_ =	swait.ge [sflag:s12], $0x4000  }
.Ltmp1:
0x4c: {  	[sflag:s12] =	ssyncset.done $0x0;
	(pc) =	sbr.rel @p0 .LBB2_1-.Ltmp1, $4  }
0x4d: {  	[sflag:s12] =	ssyncadd.s32 $0xFFFFC000  }
0x4e: {  	[hbm4b:s16+s3] =	stream.linear.scatter [tilespmem:s8], [sflag:$0x3], $0x4000, $0x38;
	[tilespmem:$0x8200] =	vst v63  }
0x4f: {  	_ =	swait.ge [sflag:s4], $0x4000  }
0x50: {  	[sflag:s4] =	ssyncset.done $0x0  }
.LBB2_2:
0x51: {  	[sflag:s4] =	ssyncadd.s32 $0xFFFFC000  }
0x52: {  	_ =	sfence.sel $0x180000  }
0x53: {  	[bflag:$0x0] =	sbarrier.arrive $0xFFFF  }
0x54: {  	p0 =	sne.s32 s2, $0x0;
	_ =	strace $0x9000004A  }
0x55: {  	s0 =	sadd.s32 @!p0 $0x100000, s0;
	[bflag:$0x2] =	sbarrier.arrive $0xFFFF  }
0x56: {  	[sflag:s0] =	ssyncadd.tile.s32 @!p0 $0x1;
	_ =	shalt  }
.Lfunc_end2:
_tile_overlayer_lowered:
.L_overlay_start_2:
0x57: {  	(tag) =	ssettag $0x2  }
0x58: {  	s0 =	rddreg [dreg:$0x0];
	s2 =	stileid.u32  }
0x59: {  	s1 =	rddreg [dreg:$0x1];
	p0 =	sne.s32 s2, $0x0  }
0x5a: {  	s3 =	rddreg [dreg:$0x2];
	[bflag:$0x3] =	sbarrier.arrive $0xFFFF;
	s2 =	simm.s32 @!p0 $0x1C03  }
0x5b: {  	[timem:s3], [sflag:s2] =	dma.local @!p0 [hbm:s0], s1  }
0x5c: {  	s0 =	simm.s32 @!p0 $0x3  }
0x5d: {  	_ =	swait.ge @!p0 [sflag:s0], s1  }
0x5e: {  	s1 =	ssub.s32 @!p0 $0x0, s1;
	[sflag:s0] =	ssyncset.done @!p0 $0x0  }
0x5f: {  	[sflag:s0] =	ssyncadd.s32 @!p0 s1  }
0x60: {  	[bflag:$0x3] =	sbarrier.arrive $0xFFFF  }
0x61: {  	_ =	shalt  }

</sc_bundles>
